<compile_context>
chip_gen: v7x
topology: tpu7x:2x2x1
jax: 0.10.2.dev20260603
libtpu: 0.0.44.dev20260713+nightly
codegen_flags: <defaults>
</compile_context>

<pallas_src>
import functools

import jax
import jax.numpy as jnp
from jax import lax
from jax.experimental import pallas as pl
from jax.experimental.pallas import tpu as pltpu
from jax.experimental.pallas import tpu_sc as plsc

_A = 7
_V = 256
_H = 1024
_B = 16384

_NC = 2
_NS = 16
_NW = _NC * _NS
_L = 16
_HW = _H // 2
_SPW = _B // _NW
_G = 8
_NU = _SPW // _G
_RPU = _G * _A
_JL = _HW // _L
_UNROLL = 4


def _fuse_kernel(emb_ref, w_ref, m_ref):
    m_ref[...] = jax.lax.dot_general(
        emb_ref[...], w_ref[...], (((1,), (1,)), ((), ())),
        preferred_element_type=jnp.float32).astype(jnp.bfloat16)


def _sc_bag(m_hbm, act_hbm, b_hbm, out_hbm, act_v, idx_v, rows0, rows1,
            out0, out1, b_v, bf_v, sem_g0, sem_g1, sem_o0, sem_o1):
    wid = lax.axis_index("s") * _NC + lax.axis_index("c")
    base = wid * _SPW
    pltpu.sync_copy(act_hbm.at[pl.ds(base * _A, _SPW * _A)], act_v)
    pltpu.sync_copy(b_hbm, b_v)

    lane = lax.iota(jnp.int32, _L)
    sh16 = jnp.full((_L,), jnp.int32(16))

    def unpk(bits):
        e = lax.bitcast_convert_type(lax.shift_left(bits, sh16), jnp.float32)
        o = lax.bitcast_convert_type(bits, jnp.float32)
        return e, o

    def idx_body(c, carry):
        a = act_v[pl.ds(c * _L, _L)]
        a = jnp.minimum(jnp.maximum(a, -1.0), 1.0)
        t = ((a + 1.0) * (0.5 * (_V - 1))).astype(jnp.int32)
        dd = (lane + (c * _L)) % _A
        idx_v[pl.ds(c * _L, _L)] = t + dd * _V
        return carry
    lax.fori_loop(0, _SPW * _A // _L, idx_body, 0)

    def gather(i, buf, sem):
        start = pl.multiple_of(i * _RPU, 8)
        pltpu.async_copy(m_hbm.at[idx_v.at[pl.ds(start, _RPU)]], buf, sem)

    def wait_gather(buf, sem):
        pltpu.make_async_copy(m_hbm.at[pl.ds(0, _RPU)], buf, sem).wait()

    def bias_body(c, carry):
        be, bo = unpk(b_v[pl.ds(c * _L, _L)])
        bf_v[pl.ds(c * _L, _L)] = be
        bf_v[pl.ds(_HW + c * _L, _L)] = bo
        return carry
    lax.fori_loop(0, _JL, bias_body, 0)

    def accumulate(rows, out):
        for s in range(_G):
            @plsc.parallel_loop(0, _JL, unroll=_UNROLL)
            def acc_body(j):
                acc_e = bf_v[pl.ds(j * _L, _L)]
                acc_o = bf_v[pl.ds(_HW + j * _L, _L)]
                out[pl.ds(s * _H + j * _L, _L)] = acc_e
                out[pl.ds(s * _H + _HW + j * _L, _L)] = acc_o

    def put_out(i, out, sem):
        start = pl.multiple_of((base + i * _G) * _H, 8)
        pltpu.async_copy(out, out_hbm.at[pl.ds(start, _G * _H)], sem)

    def wait_out(out, sem):
        pltpu.make_async_copy(out, out_hbm.at[pl.ds(0, _G * _H)], sem).wait()

    gather(0, rows0, sem_g0)

    def unit_body(i, carry):
        i0 = i * 2
        wait_gather(rows0, sem_g0)
        gather(i0 + 1, rows1, sem_g1)

        @pl.when(i > 0)
        def _():
            wait_out(out0, sem_o0)
        accumulate(rows0, out0)
        put_out(i0, out0, sem_o0)

        wait_gather(rows1, sem_g1)

        @pl.when(i < _NU // 2 - 1)
        def _():
            gather(i0 + 2, rows0, sem_g0)

        @pl.when(i > 0)
        def _():
            wait_out(out1, sem_o1)
        accumulate(rows1, out1)
        put_out(i0 + 1, out1, sem_o1)
        return carry

    lax.fori_loop(0, _NU // 2, unit_body, 0)
    wait_out(out0, sem_o0)
    wait_out(out1, sem_o1)


def kernel(actions, emb_table, W, b):
    m = pl.pallas_call(
        _fuse_kernel,
        grid=(_A,),
        in_specs=[
            pl.BlockSpec((_V, _H), lambda d: (0, 0)),
            pl.BlockSpec((_H, _H), lambda d: (0, d)),
        ],
        out_specs=pl.BlockSpec((_V, _H), lambda d: (d, 0)),
        out_shape=jax.ShapeDtypeStruct((_A * _V, _H), jnp.bfloat16),
    )(emb_table, W)

    m32 = lax.bitcast_convert_type(
        m.reshape(_A * _V, 2, _HW).transpose(0, 2, 1), jnp.int32)
    b32 = lax.bitcast_convert_type(
        b.astype(jnp.bfloat16).reshape(2, _HW).transpose(1, 0), jnp.int32)

    bag = functools.partial(
        pl.kernel,
        mesh=plsc.VectorSubcoreMesh(core_axis_name="c", subcore_axis_name="s"),
        out_type=jax.ShapeDtypeStruct((_B * _H,), jnp.float32),
        scratch_types=[
            pltpu.VMEM((_SPW * _A,), jnp.float32),
            pltpu.VMEM((_SPW * _A,), jnp.int32),
            pltpu.VMEM((_RPU, _HW), jnp.int32),
            pltpu.VMEM((_RPU, _HW), jnp.int32),
            pltpu.VMEM((_G * _H,), jnp.float32),
            pltpu.VMEM((_G * _H,), jnp.float32),
            pltpu.VMEM((_HW,), jnp.int32),
            pltpu.VMEM((_H,), jnp.float32),
            pltpu.SemaphoreType.DMA,
            pltpu.SemaphoreType.DMA,
            pltpu.SemaphoreType.DMA,
            pltpu.SemaphoreType.DMA,
        ],
    )(_sc_bag)

    out = bag(m32, actions.reshape(_B * _A), b32)
    return out.reshape(_B, _H)

# --- scband reference (transcript-rebuilt; emitter-appended) ---
"""Pipeline reference for scband-action-encoder-43825846288449 (READ-ONLY COPY).

The authoritative reference and input builder live on the scoring server;
editing this copy changes nothing except your own understanding.
"""

import jax, jax.numpy as jnp
import numpy as np

ACTION_DIM = 7
ACTION_BINS = 256
HIDDEN_DIM = 1024
BATCH = 16384

def setup_inputs(seed: int = 0) -> dict:
    key = jax.random.key(seed)
    k1, k2, k3, k4 = jax.random.split(key, 4)
    actions = jax.random.normal(k1, (BATCH, ACTION_DIM), dtype=jnp.float32)
    emb_table = jax.random.normal(k2, (ACTION_BINS, HIDDEN_DIM), dtype=jnp.float32) * 0.02
    W = jax.random.normal(k3, (HIDDEN_DIM, ACTION_DIM * HIDDEN_DIM), dtype=jnp.float32) * (1.0 / np.sqrt(ACTION_DIM * HIDDEN_DIM))
    b = jax.random.normal(k4, (HIDDEN_DIM,), dtype=jnp.float32) * 0.01
    return {"actions": actions, "emb_table": emb_table, "W": W, "b": b}

def reference(actions, emb_table, W, b):
    # discretize: clamp to [-1,1], map to [0, action_bins-1]
    a = jnp.clip(actions, -1.0, 1.0)
    tokens = ((a + 1.0) / 2.0 * (ACTION_BINS - 1)).astype(jnp.int32)  # [B, action_dim]
    # embedding lookup
    embeddings = jnp.take(emb_table, tokens, axis=0)  # [B, action_dim, hidden_dim]
    flat = embeddings.reshape(embeddings.shape[0], -1)  # [B, action_dim*hidden_dim]
    # linear projection
    features = flat @ W.T + b  # [B, hidden_dim]
    return features

if __name__ == "__main__":
    import jax
    _d = setup_inputs()
    print(jax.jit(kernel)(*tuple(_d.values())))

</pallas_src>

<mosaic_0001>
#map = affine_map<(d0, d1) -> (0, 0)>
#map1 = affine_map<(d0, d1) -> (0)>
module attributes {stable_mosaic.version = 14 : i64} {
  func.func @_sc_bag(%arg0: i32, %arg1: i32, %arg2: memref<1792x512xi32, #tpu.memory_space<hbm>>, %arg3: memref<114688xf32, #tpu.memory_space<hbm>>, %arg4: memref<512xi32, #tpu.memory_space<hbm>>, %arg5: memref<16777216xf32, #tpu.memory_space<hbm>>, %arg6: memref<3584xf32, #tpu.memory_space<vmem>>, %arg7: memref<3584xi32, #tpu.memory_space<vmem>>, %arg8: memref<56x512xi32, #tpu.memory_space<vmem>>, %arg9: memref<56x512xi32, #tpu.memory_space<vmem>>, %arg10: memref<8192xf32, #tpu.memory_space<vmem>>, %arg11: memref<8192xf32, #tpu.memory_space<vmem>>, %arg12: memref<512xi32, #tpu.memory_space<vmem>>, %arg13: memref<1024xf32, #tpu.memory_space<vmem>>, %arg14: memref<!tpu.dma_semaphore, #tpu.memory_space<semaphore_mem>>, %arg15: memref<!tpu.dma_semaphore, #tpu.memory_space<semaphore_mem>>, %arg16: memref<!tpu.dma_semaphore, #tpu.memory_space<semaphore_mem>>, %arg17: memref<!tpu.dma_semaphore, #tpu.memory_space<semaphore_mem>>) attributes {dimension_semantics = [#tpu.dimension_semantics<core_parallel>, #tpu.dimension_semantics<subcore_parallel>], iteration_bounds = array<i64: 2, 16>, scalar_prefetch = 0 : i64, scratch_operands = 12 : i64, tpu.core_type = #tpu.core_type<sc_vector_subcore>, window_params = [{transform_indices = #map}, {transform_indices = #map1}, {transform_indices = #map1}, {transform_indices = #map1}]} {
    %mul3A = arith.constant 2 : i32
    %mul3A_0 = arith.muli %arg1, %mul3A : i32
    %add3A = arith.addi %mul3A_0, %arg0 : i32
    %mul3A_1 = arith.constant 512 : i32
    %mul3A_2 = arith.muli %add3A, %mul3A_1 : i32
    %mul3A_3 = arith.constant 7 : i32
    %mul3A_4 = arith.muli %mul3A_2, %mul3A_3 : i32
    "tpu.region"() ({
      %run_scoped3A = tpu.sem_alloc : memref<!tpu.dma_semaphore, #tpu.memory_space<semaphore_mem>>
      %dma_start3A_34 = tpu.memref_slice %arg3[%mul3A_4] : memref<114688xf32, #tpu.memory_space<hbm>> -> memref<3584xf32, #tpu.memory_space<hbm>>
      %dma_start3A_35 = tpu.memref_slice %arg3[%mul3A_4] : memref<114688xf32, #tpu.memory_space<hbm>> -> memref<3584xf32, #tpu.memory_space<hbm>>
      tpu.enqueue_dma source(%dma_start3A_35 : memref<3584xf32, #tpu.memory_space<hbm>>) target(%arg6 : memref<3584xf32, #tpu.memory_space<vmem>>) target_semaphore(%run_scoped3A : memref<!tpu.dma_semaphore, #tpu.memory_space<semaphore_mem>>)
      %dma_wait3A_36 = tpu.memref_slice %arg3[%mul3A_4] : memref<114688xf32, #tpu.memory_space<hbm>> -> memref<3584xf32, #tpu.memory_space<hbm>>
      %dma_wait3A_37 = tpu.memref_slice %arg3[%mul3A_4] : memref<114688xf32, #tpu.memory_space<hbm>> -> memref<3584xf32, #tpu.memory_space<hbm>>
      tpu.wait_dma2 semaphore(%run_scoped3A : memref<!tpu.dma_semaphore, #tpu.memory_space<semaphore_mem>>) src(%dma_wait3A_37 : memref<3584xf32, #tpu.memory_space<hbm>>) dst(%arg6 : memref<3584xf32, #tpu.memory_space<vmem>>)
      tpu.yield
    }) : () -> ()
    "tpu.region"() ({
      %run_scoped3A = tpu.sem_alloc : memref<!tpu.dma_semaphore, #tpu.memory_space<semaphore_mem>>
      tpu.enqueue_dma source(%arg4 : memref<512xi32, #tpu.memory_space<hbm>>) target(%arg12 : memref<512xi32, #tpu.memory_space<vmem>>) target_semaphore(%run_scoped3A : memref<!tpu.dma_semaphore, #tpu.memory_space<semaphore_mem>>)
      tpu.wait_dma2 semaphore(%run_scoped3A : memref<!tpu.dma_semaphore, #tpu.memory_space<semaphore_mem>>) src(%arg4 : memref<512xi32, #tpu.memory_space<hbm>>) dst(%arg12 : memref<512xi32, #tpu.memory_space<vmem>>)
      tpu.yield
    }) : () -> ()
    %iota3A = tpu.iota {dimensions = array<i32: 0>} : vector<16xi32>
    %broadcast_in_dim3A = arith.constant 16 : i32
    %broadcast_in_dim3A_5 = vector.broadcast %broadcast_in_dim3A : i32 to vector<16xi32>
    %scan3A = arith.constant 0 : i32
    %scan3A_6 = arith.constant 0 : i32
    %scan3A_7 = arith.constant 224 : i32
    %scan3A_8 = arith.addi %scan3A_6, %scan3A_7 : i32
    %scan3A_9 = arith.constant 1 : i32
    scf.for %scan3A_34 = %scan3A_6 to %scan3A_8 step %scan3A_9  : i32 {
      %mul3A_35 = arith.constant 16 : i32
      %mul3A_36 = arith.muli %scan3A_34, %mul3A_35 : i32
      %get3A = arith.index_cast %mul3A_36 : i32 to index
      %get3A_37 = tpu.vector_load %arg6[%get3A] {strides = array<i32>} : memref<3584xf32, #tpu.memory_space<vmem>>, vector<16xf32>,
      %get3A_38 = vector.shape_cast %get3A_37 : vector<16xf32> to vector<16xf32>
      %max3A = arith.constant -1.000000e+00 : f32
      %max3A_39 = vector.broadcast %max3A : f32 to vector<16xf32>
      %max3A_40 = arith.maximumf %get3A_38, %max3A_39 : vector<16xf32>
      %min3A = arith.constant 1.000000e+00 : f32
      %min3A_41 = vector.broadcast %min3A : f32 to vector<16xf32>
      %min3A_42 = arith.minimumf %max3A_40, %min3A_41 : vector<16xf32>
      %add3A_43 = arith.constant 1.000000e+00 : f32
      %add3A_44 = vector.broadcast %add3A_43 : f32 to vector<16xf32>
      %add3A_45 = arith.addf %min3A_42, %add3A_44 : vector<16xf32>
      %mul3A_46 = arith.constant 1.275000e+02 : f32
      %mul3A_47 = vector.broadcast %mul3A_46 : f32 to vector<16xf32>
      %mul3A_48 = arith.mulf %add3A_45, %mul3A_47 : vector<16xf32>
      %convert_element_type3A = arith.fptosi %mul3A_48 : vector<16xf32> to vector<16xi32>
      %mul3A_49 = arith.constant 16 : i32
      %mul3A_50 = arith.muli %scan3A_34, %mul3A_49 : i32
      %add3A_51 = vector.broadcast %mul3A_50 : i32 to vector<16xi32>
      %add3A_52 = arith.addi %iota3A, %add3A_51 : vector<16xi32>
      %jit3A = arith.constant 7 : i32
      %eq3A = arith.constant 0 : i32
      %eq3A_53 = arith.cmpi eq, %jit3A, %eq3A : i32
      %jit3A_54 = arith.constant 1 : i32
      %select_n3A = arith.select %eq3A_53, %jit3A_54, %jit3A : i32
      %rem3A = vector.broadcast %select_n3A : i32 to vector<16xi32>
      %rem3A_55 = arith.remsi %add3A_52, %rem3A : vector<16xi32>
      %ne3A = arith.constant 0 : i32
      %ne3A_56 = vector.broadcast %ne3A : i32 to vector<16xi32>
      %ne3A_57 = arith.cmpi ne, %rem3A_55, %ne3A_56 : vector<16xi32>
      %lt3A = arith.constant 0 : i32
      %lt3A_58 = vector.broadcast %lt3A : i32 to vector<16xi32>
      %lt3A_59 = arith.cmpi slt, %rem3A_55, %lt3A_58 : vector<16xi32>
      %lt3A_60 = arith.constant 0 : i32
      %lt3A_61 = arith.cmpi slt, %select_n3A, %lt3A_60 : i32
      %ne3A_62 = vector.broadcast %lt3A_61 : i1 to vector<16xi1>
      %ne3A_63 = vector.broadcast %ne3A_62 : vector<16xi1> to vector<16xi1>
      %ne3A_64 = arith.xori %lt3A_59, %ne3A_63 : vector<16xi1>
      %and3A = arith.andi %ne3A_64, %ne3A_57 : vector<16xi1>
      %add3A_65 = vector.broadcast %select_n3A : i32 to vector<16xi32>
      %add3A_66 = arith.addi %rem3A_55, %add3A_65 : vector<16xi32>
      %select_n3A_67 = arith.select %and3A, %add3A_66, %rem3A_55 : vector<16xi1>, vector<16xi32>
      %mul3A_68 = arith.constant 256 : i32
      %mul3A_69 = vector.broadcast %mul3A_68 : i32 to vector<16xi32>
      %mul3A_70 = arith.muli %select_n3A_67, %mul3A_69 : vector<16xi32>
      %add3A_71 = arith.addi %convert_element_type3A, %mul3A_70 : vector<16xi32>
      %mul3A_72 = arith.constant 16 : i32
      %mul3A_73 = arith.muli %scan3A_34, %mul3A_72 : i32
      %swap3A = arith.index_cast %mul3A_73 : i32 to index
      %swap3A_74 = tpu.vector_load %arg7[%swap3A] {strides = array<i32>} : memref<3584xi32, #tpu.memory_space<vmem>>, vector<16xi32>,
      %swap3A_75 = vector.shape_cast %swap3A_74 : vector<16xi32> to vector<16xi32>
      %swap3A_76 = vector.shape_cast %add3A_71 : vector<16xi32> to vector<16xi32>
      tpu.vector_store %arg7[%swap3A], %swap3A_76 {strides = array<i32>} : memref<3584xi32, #tpu.memory_space<vmem>>, vector<16xi32>,
    }
    %scan3A_10 = arith.constant 224 : i32
    %scan3A_11 = arith.constant 0 : i32
    %scan3A_12 = arith.constant 0 : i32
    %scan3A_13 = arith.constant 32 : i32
    %scan3A_14 = arith.addi %scan3A_12, %scan3A_13 : i32
    %scan3A_15 = arith.constant 1 : i32
    scf.for %scan3A_34 = %scan3A_12 to %scan3A_14 step %scan3A_15  : i32 {
      %mul3A_35 = arith.constant 16 : i32
      %mul3A_36 = arith.muli %scan3A_34, %mul3A_35 : i32
      %get3A = arith.index_cast %mul3A_36 : i32 to index
      %get3A_37 = tpu.vector_load %arg12[%get3A] {strides = array<i32>} : memref<512xi32, #tpu.memory_space<vmem>>, vector<16xi32>,
      %get3A_38 = vector.shape_cast %get3A_37 : vector<16xi32> to vector<16xi32>
      %shift_left3A = arith.shli %get3A_38, %broadcast_in_dim3A_5 : vector<16xi32>
      %bitcast_convert_type3A = tpu.bitcast %shift_left3A : vector<16xi32> -> vector<16xf32>
      %bitcast_convert_type3A_39 = tpu.bitcast %get3A_38 : vector<16xi32> -> vector<16xf32>
      %mul3A_40 = arith.constant 16 : i32
      %mul3A_41 = arith.muli %scan3A_34, %mul3A_40 : i32
      %swap3A = arith.index_cast %mul3A_41 : i32 to index
      %swap3A_42 = tpu.vector_load %arg13[%swap3A] {strides = array<i32>} : memref<1024xf32, #tpu.memory_space<vmem>>, vector<16xf32>,
      %swap3A_43 = vector.shape_cast %swap3A_42 : vector<16xf32> to vector<16xf32>
      %swap3A_44 = vector.shape_cast %bitcast_convert_type3A : vector<16xf32> to vector<16xf32>
      tpu.vector_store %arg13[%swap3A], %swap3A_44 {strides = array<i32>} : memref<1024xf32, #tpu.memory_space<vmem>>, vector<16xf32>,
      %mul3A_45 = arith.constant 16 : i32
      %mul3A_46 = arith.muli %scan3A_34, %mul3A_45 : i32
      %add3A_47 = arith.constant 512 : i32
      %add3A_48 = arith.addi %add3A_47, %mul3A_46 : i32
      %swap3A_49 = arith.index_cast %add3A_48 : i32 to index
      %swap3A_50 = tpu.vector_load %arg13[%swap3A_49] {strides = array<i32>} : memref<1024xf32, #tpu.memory_space<vmem>>, vector<16xf32>,
      %swap3A_51 = vector.shape_cast %swap3A_50 : vector<16xf32> to vector<16xf32>
      %swap3A_52 = vector.shape_cast %bitcast_convert_type3A_39 : vector<16xf32> to vector<16xf32>
      tpu.vector_store %arg13[%swap3A_49], %swap3A_52 {strides = array<i32>} : memref<1024xf32, #tpu.memory_space<vmem>>, vector<16xf32>,
    }
    %scan3A_16 = arith.constant 32 : i32
    %multiple_of3A = arith.constant 0 : i32
    %multiple_of3A_17 = tpu.assume_multiple %multiple_of3A, 8 : i32
    %dma_start3A = tpu.memref_slice %arg7[%multiple_of3A_17] : memref<3584xi32, #tpu.memory_space<vmem>> -> memref<56xi32, #tpu.memory_space<vmem>>
    %dma_start3A_18 = arith.constant 0 : i32
    %dma_start3A_19 = arith.constant 0 : i32
    %dma_start3A_20 = tpu.memref_slice %arg2[%dma_start3A_18, %dma_start3A_19] : memref<1792x512xi32, #tpu.memory_space<hbm>> -> memref<1792x512xi32, #tpu.memory_space<hbm>>
    tpu.enqueue_indirect_dma source(%dma_start3A_20 : memref<1792x512xi32, #tpu.memory_space<hbm>>) target(%arg8 : memref<56x512xi32, #tpu.memory_space<vmem>>) offsets(%dma_start3A : memref<56xi32, #tpu.memory_space<vmem>>) semaphore(%arg14 : memref<!tpu.dma_semaphore, #tpu.memory_space<semaphore_mem>>)
    %scan3A_21 = arith.constant 0 : i32
    %scan3A_22 = arith.constant 0 : i32
    %scan3A_23 = arith.constant 32 : i32
    %scan3A_24 = arith.addi %scan3A_22, %scan3A_23 : i32
    %scan3A_25 = arith.constant 1 : i32
    scf.for %scan3A_34 = %scan3A_22 to %scan3A_24 step %scan3A_25  : i32 {
      %mul3A_35 = arith.constant 2 : i32
      %mul3A_36 = arith.muli %scan3A_34, %mul3A_35 : i32
      %dma_wait3A_37 = arith.constant 0 : i32
      %dma_wait3A_38 = arith.constant 0 : i32
      %dma_wait3A_39 = tpu.memref_slice %arg2[%dma_wait3A_37, %dma_wait3A_38] : memref<1792x512xi32, #tpu.memory_space<hbm>> -> memref<56x512xi32, #tpu.memory_space<hbm>>
      %dma_wait3A_40 = arith.constant 0 : i32
      %dma_wait3A_41 = arith.constant 0 : i32
      %dma_wait3A_42 = tpu.memref_slice %arg2[%dma_wait3A_40, %dma_wait3A_41] : memref<1792x512xi32, #tpu.memory_space<hbm>> -> memref<56x512xi32, #tpu.memory_space<hbm>>
      tpu.wait_dma2 semaphore(%arg14 : memref<!tpu.dma_semaphore, #tpu.memory_space<semaphore_mem>>) src(%dma_wait3A_42 : memref<56x512xi32, #tpu.memory_space<hbm>>) dst(%arg8 : memref<56x512xi32, #tpu.memory_space<vmem>>)
      %add3A_43 = arith.constant 1 : i32
      %add3A_44 = arith.addi %mul3A_36, %add3A_43 : i32
      %mul3A_45 = arith.constant 56 : i32
      %mul3A_46 = arith.muli %add3A_44, %mul3A_45 : i32
      %multiple_of3A_47 = tpu.assume_multiple %mul3A_46, 8 : i32
      %dma_start3A_48 = tpu.memref_slice %arg7[%multiple_of3A_47] : memref<3584xi32, #tpu.memory_space<vmem>> -> memref<56xi32, #tpu.memory_space<vmem>>
      %dma_start3A_49 = arith.constant 0 : i32
      %dma_start3A_50 = arith.constant 0 : i32
      %dma_start3A_51 = tpu.memref_slice %arg2[%dma_start3A_49, %dma_start3A_50] : memref<1792x512xi32, #tpu.memory_space<hbm>> -> memref<1792x512xi32, #tpu.memory_space<hbm>>
      tpu.enqueue_indirect_dma source(%dma_start3A_51 : memref<1792x512xi32, #tpu.memory_space<hbm>>) target(%arg9 : memref<56x512xi32, #tpu.memory_space<vmem>>) offsets(%dma_start3A_48 : memref<56xi32, #tpu.memory_space<vmem>>) semaphore(%arg15 : memref<!tpu.dma_semaphore, #tpu.memory_space<semaphore_mem>>)
      %gt3A = arith.constant 0 : i32
      %gt3A_52 = arith.cmpi sgt, %scan3A_34, %gt3A : i32
      %convert_element_type3A = arith.extui %gt3A_52 : i1 to i32
      %cond3A = arith.constant 0 : i32
      %cond3A_53 = arith.cmpi ne, %convert_element_type3A, %cond3A : i32
      scf.if %cond3A_53 {
        %dma_wait3A_134 = arith.constant 0 : i32
        %dma_wait3A_135 = tpu.memref_slice %arg5[%dma_wait3A_134] : memref<16777216xf32, #tpu.memory_space<hbm>> -> memref<8192xf32, #tpu.memory_space<hbm>>
        %dma_wait3A_136 = arith.constant 0 : i32
        %dma_wait3A_137 = tpu.memref_slice %arg5[%dma_wait3A_136] : memref<16777216xf32, #tpu.memory_space<hbm>> -> memref<8192xf32, #tpu.memory_space<hbm>>
        tpu.wait_dma2 semaphore(%arg16 : memref<!tpu.dma_semaphore, #tpu.memory_space<semaphore_mem>>) src(%arg10 : memref<8192xf32, #tpu.memory_space<vmem>>) dst(%dma_wait3A_137 : memref<8192xf32, #tpu.memory_space<hbm>>)
      } else {
      }
      %parallel_loop3A = arith.constant 0 : i32
      %parallel_loop3A_54 = arith.constant 32 : i32
      %parallel_loop3A_55 = arith.constant 1 : i32
      scf.for %parallel_loop3A_134 = %parallel_loop3A to %parallel_loop3A_54 step %parallel_loop3A_55  : i32 {
        %parallel_loop3A_135 = arith.constant 16 : i32
        %parallel_loop3A_136 = arith.muli %parallel_loop3A_134, %parallel_loop3A_135 : i32
        %parallel_loop3A_137 = arith.index_cast %parallel_loop3A_136 : i32 to index
        %parallel_loop3A_138 = tpu.vector_load %arg13[%parallel_loop3A_137] {strides = array<i32>} : memref<1024xf32, #tpu.memory_space<vmem>>, vector<16xf32>,
        %parallel_loop3A_139 = vector.shape_cast %parallel_loop3A_138 : vector<16xf32> to vector<16xf32>
        %parallel_loop3A_140 = arith.constant 16 : i32
        %parallel_loop3A_141 = arith.muli %parallel_loop3A_134, %parallel_loop3A_140 : i32
        %parallel_loop3A_142 = arith.constant 512 : i32
        %parallel_loop3A_143 = arith.addi %parallel_loop3A_142, %parallel_loop3A_141 : i32
        %parallel_loop3A_144 = arith.index_cast %parallel_loop3A_143 : i32 to index
        %parallel_loop3A_145 = tpu.vector_load %arg13[%parallel_loop3A_144] {strides = array<i32>} : memref<1024xf32, #tpu.memory_space<vmem>>, vector<16xf32>,
        %parallel_loop3A_146 = vector.shape_cast %parallel_loop3A_145 : vector<16xf32> to vector<16xf32>
        %parallel_loop3A_147 = arith.constant 16 : i32
        %parallel_loop3A_148 = arith.muli %parallel_loop3A_134, %parallel_loop3A_147 : i32
        %parallel_loop3A_149 = arith.constant 0 : i32
        %parallel_loop3A_150 = arith.addi %parallel_loop3A_149, %parallel_loop3A_148 : i32
        %parallel_loop3A_151 = arith.index_cast %parallel_loop3A_150 : i32 to index
        %parallel_loop3A_152 = tpu.vector_load %arg10[%parallel_loop3A_151] {strides = array<i32>} : memref<8192xf32, #tpu.memory_space<vmem>>, vector<16xf32>,
        %parallel_loop3A_153 = vector.shape_cast %parallel_loop3A_152 : vector<16xf32> to vector<16xf32>
        %parallel_loop3A_154 = vector.shape_cast %parallel_loop3A_139 : vector<16xf32> to vector<16xf32>
        tpu.vector_store %arg10[%parallel_loop3A_151], %parallel_loop3A_154 {strides = array<i32>} : memref<8192xf32, #tpu.memory_space<vmem>>, vector<16xf32>,
        %parallel_loop3A_155 = arith.constant 16 : i32
        %parallel_loop3A_156 = arith.muli %parallel_loop3A_134, %parallel_loop3A_155 : i32
        %parallel_loop3A_157 = arith.constant 512 : i32
        %parallel_loop3A_158 = arith.addi %parallel_loop3A_157, %parallel_loop3A_156 : i32
        %parallel_loop3A_159 = arith.index_cast %parallel_loop3A_158 : i32 to index
        %parallel_loop3A_160 = tpu.vector_load %arg10[%parallel_loop3A_159] {strides = array<i32>} : memref<8192xf32, #tpu.memory_space<vmem>>, vector<16xf32>,
        %parallel_loop3A_161 = vector.shape_cast %parallel_loop3A_160 : vector<16xf32> to vector<16xf32>
        %parallel_loop3A_162 = vector.shape_cast %parallel_loop3A_146 : vector<16xf32> to vector<16xf32>
        tpu.vector_store %arg10[%parallel_loop3A_159], %parallel_loop3A_162 {strides = array<i32>} : memref<8192xf32, #tpu.memory_space<vmem>>, vector<16xf32>,
      } {sc.loop_unroll_factor = 4 : i64, sc.parallel_access}
      %parallel_loop3A_56 = arith.constant 0 : i32
      %parallel_loop3A_57 = arith.constant 32 : i32
      %parallel_loop3A_58 = arith.constant 1 : i32
      scf.for %parallel_loop3A_134 = %parallel_loop3A_56 to %parallel_loop3A_57 step %parallel_loop3A_58  : i32 {
        %parallel_loop3A_135 = arith.constant 16 : i32
        %parallel_loop3A_136 = arith.muli %parallel_loop3A_134, %parallel_loop3A_135 : i32
        %parallel_loop3A_137 = arith.index_cast %parallel_loop3A_136 : i32 to index
        %parallel_loop3A_138 = tpu.vector_load %arg13[%parallel_loop3A_137] {strides = array<i32>} : memref<1024xf32, #tpu.memory_space<vmem>>, vector<16xf32>,
        %parallel_loop3A_139 = vector.shape_cast %parallel_loop3A_138 : vector<16xf32> to vector<16xf32>
        %parallel_loop3A_140 = arith.constant 16 : i32
        %parallel_loop3A_141 = arith.muli %parallel_loop3A_134, %parallel_loop3A_140 : i32
        %parallel_loop3A_142 = arith.constant 512 : i32
        %parallel_loop3A_143 = arith.addi %parallel_loop3A_142, %parallel_loop3A_141 : i32
        %parallel_loop3A_144 = arith.index_cast %parallel_loop3A_143 : i32 to index
        %parallel_loop3A_145 = tpu.vector_load %arg13[%parallel_loop3A_144] {strides = array<i32>} : memref<1024xf32, #tpu.memory_space<vmem>>, vector<16xf32>,
        %parallel_loop3A_146 = vector.shape_cast %parallel_loop3A_145 : vector<16xf32> to vector<16xf32>
        %parallel_loop3A_147 = arith.constant 16 : i32
        %parallel_loop3A_148 = arith.muli %parallel_loop3A_134, %parallel_loop3A_147 : i32
        %parallel_loop3A_149 = arith.constant 1024 : i32
        %parallel_loop3A_150 = arith.addi %parallel_loop3A_149, %parallel_loop3A_148 : i32
        %parallel_loop3A_151 = arith.index_cast %parallel_loop3A_150 : i32 to index
        %parallel_loop3A_152 = tpu.vector_load %arg10[%parallel_loop3A_151] {strides = array<i32>} : memref<8192xf32, #tpu.memory_space<vmem>>, vector<16xf32>,
        %parallel_loop3A_153 = vector.shape_cast %parallel_loop3A_152 : vector<16xf32> to vector<16xf32>
        %parallel_loop3A_154 = vector.shape_cast %parallel_loop3A_139 : vector<16xf32> to vector<16xf32>
        tpu.vector_store %arg10[%parallel_loop3A_151], %parallel_loop3A_154 {strides = array<i32>} : memref<8192xf32, #tpu.memory_space<vmem>>, vector<16xf32>,
        %parallel_loop3A_155 = arith.constant 16 : i32
        %parallel_loop3A_156 = arith.muli %parallel_loop3A_134, %parallel_loop3A_155 : i32
        %parallel_loop3A_157 = arith.constant 1536 : i32
        %parallel_loop3A_158 = arith.addi %parallel_loop3A_157, %parallel_loop3A_156 : i32
        %parallel_loop3A_159 = arith.index_cast %parallel_loop3A_158 : i32 to index
        %parallel_loop3A_160 = tpu.vector_load %arg10[%parallel_loop3A_159] {strides = array<i32>} : memref<8192xf32, #tpu.memory_space<vmem>>, vector<16xf32>,
        %parallel_loop3A_161 = vector.shape_cast %parallel_loop3A_160 : vector<16xf32> to vector<16xf32>
        %parallel_loop3A_162 = vector.shape_cast %parallel_loop3A_146 : vector<16xf32> to vector<16xf32>
        tpu.vector_store %arg10[%parallel_loop3A_159], %parallel_loop3A_162 {strides = array<i32>} : memref<8192xf32, #tpu.memory_space<vmem>>, vector<16xf32>,
      } {sc.loop_unroll_factor = 4 : i64, sc.parallel_access}
      %parallel_loop3A_59 = arith.constant 0 : i32
      %parallel_loop3A_60 = arith.constant 32 : i32
      %parallel_loop3A_61 = arith.constant 1 : i32
      scf.for %parallel_loop3A_134 = %parallel_loop3A_59 to %parallel_loop3A_60 step %parallel_loop3A_61  : i32 {
        %parallel_loop3A_135 = arith.constant 16 : i32
        %parallel_loop3A_136 = arith.muli %parallel_loop3A_134, %parallel_loop3A_135 : i32
        %parallel_loop3A_137 = arith.index_cast %parallel_loop3A_136 : i32 to index
        %parallel_loop3A_138 = tpu.vector_load %arg13[%parallel_loop3A_137] {strides = array<i32>} : memref<1024xf32, #tpu.memory_space<vmem>>, vector<16xf32>,
        %parallel_loop3A_139 = vector.shape_cast %parallel_loop3A_138 : vector<16xf32> to vector<16xf32>
        %parallel_loop3A_140 = arith.constant 16 : i32
        %parallel_loop3A_141 = arith.muli %parallel_loop3A_134, %parallel_loop3A_140 : i32
        %parallel_loop3A_142 = arith.constant 512 : i32
        %parallel_loop3A_143 = arith.addi %parallel_loop3A_142, %parallel_loop3A_141 : i32
        %parallel_loop3A_144 = arith.index_cast %parallel_loop3A_143 : i32 to index
        %parallel_loop3A_145 = tpu.vector_load %arg13[%parallel_loop3A_144] {strides = array<i32>} : memref<1024xf32, #tpu.memory_space<vmem>>, vector<16xf32>,
        %parallel_loop3A_146 = vector.shape_cast %parallel_loop3A_145 : vector<16xf32> to vector<16xf32>
        %parallel_loop3A_147 = arith.constant 16 : i32
        %parallel_loop3A_148 = arith.muli %parallel_loop3A_134, %parallel_loop3A_147 : i32
        %parallel_loop3A_149 = arith.constant 2048 : i32
        %parallel_loop3A_150 = arith.addi %parallel_loop3A_149, %parallel_loop3A_148 : i32
        %parallel_loop3A_151 = arith.index_cast %parallel_loop3A_150 : i32 to index
        %parallel_loop3A_152 = tpu.vector_load %arg10[%parallel_loop3A_151] {strides = array<i32>} : memref<8192xf32, #tpu.memory_space<vmem>>, vector<16xf32>,
        %parallel_loop3A_153 = vector.shape_cast %parallel_loop3A_152 : vector<16xf32> to vector<16xf32>
        %parallel_loop3A_154 = vector.shape_cast %parallel_loop3A_139 : vector<16xf32> to vector<16xf32>
        tpu.vector_store %arg10[%parallel_loop3A_151], %parallel_loop3A_154 {strides = array<i32>} : memref<8192xf32, #tpu.memory_space<vmem>>, vector<16xf32>,
        %parallel_loop3A_155 = arith.constant 16 : i32
        %parallel_loop3A_156 = arith.muli %parallel_loop3A_134, %parallel_loop3A_155 : i32
        %parallel_loop3A_157 = arith.constant 2560 : i32
        %parallel_loop3A_158 = arith.addi %parallel_loop3A_157, %parallel_loop3A_156 : i32
        %parallel_loop3A_159 = arith.index_cast %parallel_loop3A_158 : i32 to index
        %parallel_loop3A_160 = tpu.vector_load %arg10[%parallel_loop3A_159] {strides = array<i32>} : memref<8192xf32, #tpu.memory_space<vmem>>, vector<16xf32>,
        %parallel_loop3A_161 = vector.shape_cast %parallel_loop3A_160 : vector<16xf32> to vector<16xf32>
        %parallel_loop3A_162 = vector.shape_cast %parallel_loop3A_146 : vector<16xf32> to vector<16xf32>
        tpu.vector_store %arg10[%parallel_loop3A_159], %parallel_loop3A_162 {strides = array<i32>} : memref<8192xf32, #tpu.memory_space<vmem>>, vector<16xf32>,
      } {sc.loop_unroll_factor = 4 : i64, sc.parallel_access}
      %parallel_loop3A_62 = arith.constant 0 : i32
      %parallel_loop3A_63 = arith.constant 32 : i32
      %parallel_loop3A_64 = arith.constant 1 : i32
      scf.for %parallel_loop3A_134 = %parallel_loop3A_62 to %parallel_loop3A_63 step %parallel_loop3A_64  : i32 {
        %parallel_loop3A_135 = arith.constant 16 : i32
        %parallel_loop3A_136 = arith.muli %parallel_loop3A_134, %parallel_loop3A_135 : i32
        %parallel_loop3A_137 = arith.index_cast %parallel_loop3A_136 : i32 to index
        %parallel_loop3A_138 = tpu.vector_load %arg13[%parallel_loop3A_137] {strides = array<i32>} : memref<1024xf32, #tpu.memory_space<vmem>>, vector<16xf32>,
        %parallel_loop3A_139 = vector.shape_cast %parallel_loop3A_138 : vector<16xf32> to vector<16xf32>
        %parallel_loop3A_140 = arith.constant 16 : i32
        %parallel_loop3A_141 = arith.muli %parallel_loop3A_134, %parallel_loop3A_140 : i32
        %parallel_loop3A_142 = arith.constant 512 : i32
        %parallel_loop3A_143 = arith.addi %parallel_loop3A_142, %parallel_loop3A_141 : i32
        %parallel_loop3A_144 = arith.index_cast %parallel_loop3A_143 : i32 to index
        %parallel_loop3A_145 = tpu.vector_load %arg13[%parallel_loop3A_144] {strides = array<i32>} : memref<1024xf32, #tpu.memory_space<vmem>>, vector<16xf32>,
        %parallel_loop3A_146 = vector.shape_cast %parallel_loop3A_145 : vector<16xf32> to vector<16xf32>
        %parallel_loop3A_147 = arith.constant 16 : i32
        %parallel_loop3A_148 = arith.muli %parallel_loop3A_134, %parallel_loop3A_147 : i32
        %parallel_loop3A_149 = arith.constant 3072 : i32
        %parallel_loop3A_150 = arith.addi %parallel_loop3A_149, %parallel_loop3A_148 : i32
        %parallel_loop3A_151 = arith.index_cast %parallel_loop3A_150 : i32 to index
        %parallel_loop3A_152 = tpu.vector_load %arg10[%parallel_loop3A_151] {strides = array<i32>} : memref<8192xf32, #tpu.memory_space<vmem>>, vector<16xf32>,
        %parallel_loop3A_153 = vector.shape_cast %parallel_loop3A_152 : vector<16xf32> to vector<16xf32>
        %parallel_loop3A_154 = vector.shape_cast %parallel_loop3A_139 : vector<16xf32> to vector<16xf32>
        tpu.vector_store %arg10[%parallel_loop3A_151], %parallel_loop3A_154 {strides = array<i32>} : memref<8192xf32, #tpu.memory_space<vmem>>, vector<16xf32>,
        %parallel_loop3A_155 = arith.constant 16 : i32
        %parallel_loop3A_156 = arith.muli %parallel_loop3A_134, %parallel_loop3A_155 : i32
        %parallel_loop3A_157 = arith.constant 3584 : i32
        %parallel_loop3A_158 = arith.addi %parallel_loop3A_157, %parallel_loop3A_156 : i32
        %parallel_loop3A_159 = arith.index_cast %parallel_loop3A_158 : i32 to index
        %parallel_loop3A_160 = tpu.vector_load %arg10[%parallel_loop3A_159] {strides = array<i32>} : memref<8192xf32, #tpu.memory_space<vmem>>, vector<16xf32>,
        %parallel_loop3A_161 = vector.shape_cast %parallel_loop3A_160 : vector<16xf32> to vector<16xf32>
        %parallel_loop3A_162 = vector.shape_cast %parallel_loop3A_146 : vector<16xf32> to vector<16xf32>
        tpu.vector_store %arg10[%parallel_loop3A_159], %parallel_loop3A_162 {strides = array<i32>} : memref<8192xf32, #tpu.memory_space<vmem>>, vector<16xf32>,
      } {sc.loop_unroll_factor = 4 : i64, sc.parallel_access}
      %parallel_loop3A_65 = arith.constant 0 : i32
      %parallel_loop3A_66 = arith.constant 32 : i32
      %parallel_loop3A_67 = arith.constant 1 : i32
      scf.for %parallel_loop3A_134 = %parallel_loop3A_65 to %parallel_loop3A_66 step %parallel_loop3A_67  : i32 {
        %parallel_loop3A_135 = arith.constant 16 : i32
        %parallel_loop3A_136 = arith.muli %parallel_loop3A_134, %parallel_loop3A_135 : i32
        %parallel_loop3A_137 = arith.index_cast %parallel_loop3A_136 : i32 to index
        %parallel_loop3A_138 = tpu.vector_load %arg13[%parallel_loop3A_137] {strides = array<i32>} : memref<1024xf32, #tpu.memory_space<vmem>>, vector<16xf32>,
        %parallel_loop3A_139 = vector.shape_cast %parallel_loop3A_138 : vector<16xf32> to vector<16xf32>
        %parallel_loop3A_140 = arith.constant 16 : i32
        %parallel_loop3A_141 = arith.muli %parallel_loop3A_134, %parallel_loop3A_140 : i32
        %parallel_loop3A_142 = arith.constant 512 : i32
        %parallel_loop3A_143 = arith.addi %parallel_loop3A_142, %parallel_loop3A_141 : i32
        %parallel_loop3A_144 = arith.index_cast %parallel_loop3A_143 : i32 to index
        %parallel_loop3A_145 = tpu.vector_load %arg13[%parallel_loop3A_144] {strides = array<i32>} : memref<1024xf32, #tpu.memory_space<vmem>>, vector<16xf32>,
        %parallel_loop3A_146 = vector.shape_cast %parallel_loop3A_145 : vector<16xf32> to vector<16xf32>
        %parallel_loop3A_147 = arith.constant 16 : i32
        %parallel_loop3A_148 = arith.muli %parallel_loop3A_134, %parallel_loop3A_147 : i32
        %parallel_loop3A_149 = arith.constant 4096 : i32
        %parallel_loop3A_150 = arith.addi %parallel_loop3A_149, %parallel_loop3A_148 : i32
        %parallel_loop3A_151 = arith.index_cast %parallel_loop3A_150 : i32 to index
        %parallel_loop3A_152 = tpu.vector_load %arg10[%parallel_loop3A_151] {strides = array<i32>} : memref<8192xf32, #tpu.memory_space<vmem>>, vector<16xf32>,
        %parallel_loop3A_153 = vector.shape_cast %parallel_loop3A_152 : vector<16xf32> to vector<16xf32>
        %parallel_loop3A_154 = vector.shape_cast %parallel_loop3A_139 : vector<16xf32> to vector<16xf32>
        tpu.vector_store %arg10[%parallel_loop3A_151], %parallel_loop3A_154 {strides = array<i32>} : memref<8192xf32, #tpu.memory_space<vmem>>, vector<16xf32>,
        %parallel_loop3A_155 = arith.constant 16 : i32
        %parallel_loop3A_156 = arith.muli %parallel_loop3A_134, %parallel_loop3A_155 : i32
        %parallel_loop3A_157 = arith.constant 4608 : i32
        %parallel_loop3A_158 = arith.addi %parallel_loop3A_157, %parallel_loop3A_156 : i32
        %parallel_loop3A_159 = arith.index_cast %parallel_loop3A_158 : i32 to index
        %parallel_loop3A_160 = tpu.vector_load %arg10[%parallel_loop3A_159] {strides = array<i32>} : memref<8192xf32, #tpu.memory_space<vmem>>, vector<16xf32>,
        %parallel_loop3A_161 = vector.shape_cast %parallel_loop3A_160 : vector<16xf32> to vector<16xf32>
        %parallel_loop3A_162 = vector.shape_cast %parallel_loop3A_146 : vector<16xf32> to vector<16xf32>
        tpu.vector_store %arg10[%parallel_loop3A_159], %parallel_loop3A_162 {strides = array<i32>} : memref<8192xf32, #tpu.memory_space<vmem>>, vector<16xf32>,
      } {sc.loop_unroll_factor = 4 : i64, sc.parallel_access}
      %parallel_loop3A_68 = arith.constant 0 : i32
      %parallel_loop3A_69 = arith.constant 32 : i32
      %parallel_loop3A_70 = arith.constant 1 : i32
      scf.for %parallel_loop3A_134 = %parallel_loop3A_68 to %parallel_loop3A_69 step %parallel_loop3A_70  : i32 {
        %parallel_loop3A_135 = arith.constant 16 : i32
        %parallel_loop3A_136 = arith.muli %parallel_loop3A_134, %parallel_loop3A_135 : i32
        %parallel_loop3A_137 = arith.index_cast %parallel_loop3A_136 : i32 to index
        %parallel_loop3A_138 = tpu.vector_load %arg13[%parallel_loop3A_137] {strides = array<i32>} : memref<1024xf32, #tpu.memory_space<vmem>>, vector<16xf32>,
        %parallel_loop3A_139 = vector.shape_cast %parallel_loop3A_138 : vector<16xf32> to vector<16xf32>
        %parallel_loop3A_140 = arith.constant 16 : i32
        %parallel_loop3A_141 = arith.muli %parallel_loop3A_134, %parallel_loop3A_140 : i32
        %parallel_loop3A_142 = arith.constant 512 : i32
        %parallel_loop3A_143 = arith.addi %parallel_loop3A_142, %parallel_loop3A_141 : i32
        %parallel_loop3A_144 = arith.index_cast %parallel_loop3A_143 : i32 to index
        %parallel_loop3A_145 = tpu.vector_load %arg13[%parallel_loop3A_144] {strides = array<i32>} : memref<1024xf32, #tpu.memory_space<vmem>>, vector<16xf32>,
        %parallel_loop3A_146 = vector.shape_cast %parallel_loop3A_145 : vector<16xf32> to vector<16xf32>
        %parallel_loop3A_147 = arith.constant 16 : i32
        %parallel_loop3A_148 = arith.muli %parallel_loop3A_134, %parallel_loop3A_147 : i32
        %parallel_loop3A_149 = arith.constant 5120 : i32
        %parallel_loop3A_150 = arith.addi %parallel_loop3A_149, %parallel_loop3A_148 : i32
        %parallel_loop3A_151 = arith.index_cast %parallel_loop3A_150 : i32 to index
        %parallel_loop3A_152 = tpu.vector_load %arg10[%parallel_loop3A_151] {strides = array<i32>} : memref<8192xf32, #tpu.memory_space<vmem>>, vector<16xf32>,
        %parallel_loop3A_153 = vector.shape_cast %parallel_loop3A_152 : vector<16xf32> to vector<16xf32>
        %parallel_loop3A_154 = vector.shape_cast %parallel_loop3A_139 : vector<16xf32> to vector<16xf32>
        tpu.vector_store %arg10[%parallel_loop3A_151], %parallel_loop3A_154 {strides = array<i32>} : memref<8192xf32, #tpu.memory_space<vmem>>, vector<16xf32>,
        %parallel_loop3A_155 = arith.constant 16 : i32
        %parallel_loop3A_156 = arith.muli %parallel_loop3A_134, %parallel_loop3A_155 : i32
        %parallel_loop3A_157 = arith.constant 5632 : i32
        %parallel_loop3A_158 = arith.addi %parallel_loop3A_157, %parallel_loop3A_156 : i32
        %parallel_loop3A_159 = arith.index_cast %parallel_loop3A_158 : i32 to index
        %parallel_loop3A_160 = tpu.vector_load %arg10[%parallel_loop3A_159] {strides = array<i32>} : memref<8192xf32, #tpu.memory_space<vmem>>, vector<16xf32>,
        %parallel_loop3A_161 = vector.shape_cast %parallel_loop3A_160 : vector<16xf32> to vector<16xf32>
        %parallel_loop3A_162 = vector.shape_cast %parallel_loop3A_146 : vector<16xf32> to vector<16xf32>
        tpu.vector_store %arg10[%parallel_loop3A_159], %parallel_loop3A_162 {strides = array<i32>} : memref<8192xf32, #tpu.memory_space<vmem>>, vector<16xf32>,
      } {sc.loop_unroll_factor = 4 : i64, sc.parallel_access}
      %parallel_loop3A_71 = arith.constant 0 : i32
      %parallel_loop3A_72 = arith.constant 32 : i32
      %parallel_loop3A_73 = arith.constant 1 : i32
      scf.for %parallel_loop3A_134 = %parallel_loop3A_71 to %parallel_loop3A_72 step %parallel_loop3A_73  : i32 {
        %parallel_loop3A_135 = arith.constant 16 : i32
        %parallel_loop3A_136 = arith.muli %parallel_loop3A_134, %parallel_loop3A_135 : i32
        %parallel_loop3A_137 = arith.index_cast %parallel_loop3A_136 : i32 to index
        %parallel_loop3A_138 = tpu.vector_load %arg13[%parallel_loop3A_137] {strides = array<i32>} : memref<1024xf32, #tpu.memory_space<vmem>>, vector<16xf32>,
        %parallel_loop3A_139 = vector.shape_cast %parallel_loop3A_138 : vector<16xf32> to vector<16xf32>
        %parallel_loop3A_140 = arith.constant 16 : i32
        %parallel_loop3A_141 = arith.muli %parallel_loop3A_134, %parallel_loop3A_140 : i32
        %parallel_loop3A_142 = arith.constant 512 : i32
        %parallel_loop3A_143 = arith.addi %parallel_loop3A_142, %parallel_loop3A_141 : i32
        %parallel_loop3A_144 = arith.index_cast %parallel_loop3A_143 : i32 to index
        %parallel_loop3A_145 = tpu.vector_load %arg13[%parallel_loop3A_144] {strides = array<i32>} : memref<1024xf32, #tpu.memory_space<vmem>>, vector<16xf32>,
        %parallel_loop3A_146 = vector.shape_cast %parallel_loop3A_145 : vector<16xf32> to vector<16xf32>
        %parallel_loop3A_147 = arith.constant 16 : i32
        %parallel_loop3A_148 = arith.muli %parallel_loop3A_134, %parallel_loop3A_147 : i32
        %parallel_loop3A_149 = arith.constant 6144 : i32
        %parallel_loop3A_150 = arith.addi %parallel_loop3A_149, %parallel_loop3A_148 : i32
        %parallel_loop3A_151 = arith.index_cast %parallel_loop3A_150 : i32 to index
        %parallel_loop3A_152 = tpu.vector_load %arg10[%parallel_loop3A_151] {strides = array<i32>} : memref<8192xf32, #tpu.memory_space<vmem>>, vector<16xf32>,
        %parallel_loop3A_153 = vector.shape_cast %parallel_loop3A_152 : vector<16xf32> to vector<16xf32>
        %parallel_loop3A_154 = vector.shape_cast %parallel_loop3A_139 : vector<16xf32> to vector<16xf32>
        tpu.vector_store %arg10[%parallel_loop3A_151], %parallel_loop3A_154 {strides = array<i32>} : memref<8192xf32, #tpu.memory_space<vmem>>, vector<16xf32>,
        %parallel_loop3A_155 = arith.constant 16 : i32
        %parallel_loop3A_156 = arith.muli %parallel_loop3A_134, %parallel_loop3A_155 : i32
        %parallel_loop3A_157 = arith.constant 6656 : i32
        %parallel_loop3A_158 = arith.addi %parallel_loop3A_157, %parallel_loop3A_156 : i32
        %parallel_loop3A_159 = arith.index_cast %parallel_loop3A_158 : i32 to index
        %parallel_loop3A_160 = tpu.vector_load %arg10[%parallel_loop3A_159] {strides = array<i32>} : memref<8192xf32, #tpu.memory_space<vmem>>, vector<16xf32>,
        %parallel_loop3A_161 = vector.shape_cast %parallel_loop3A_160 : vector<16xf32> to vector<16xf32>
        %parallel_loop3A_162 = vector.shape_cast %parallel_loop3A_146 : vector<16xf32> to vector<16xf32>
        tpu.vector_store %arg10[%parallel_loop3A_159], %parallel_loop3A_162 {strides = array<i32>} : memref<8192xf32, #tpu.memory_space<vmem>>, vector<16xf32>,
      } {sc.loop_unroll_factor = 4 : i64, sc.parallel_access}
      %parallel_loop3A_74 = arith.constant 0 : i32
      %parallel_loop3A_75 = arith.constant 32 : i32
      %parallel_loop3A_76 = arith.constant 1 : i32
      scf.for %parallel_loop3A_134 = %parallel_loop3A_74 to %parallel_loop3A_75 step %parallel_loop3A_76  : i32 {
        %parallel_loop3A_135 = arith.constant 16 : i32
        %parallel_loop3A_136 = arith.muli %parallel_loop3A_134, %parallel_loop3A_135 : i32
        %parallel_loop3A_137 = arith.index_cast %parallel_loop3A_136 : i32 to index
        %parallel_loop3A_138 = tpu.vector_load %arg13[%parallel_loop3A_137] {strides = array<i32>} : memref<1024xf32, #tpu.memory_space<vmem>>, vector<16xf32>,
        %parallel_loop3A_139 = vector.shape_cast %parallel_loop3A_138 : vector<16xf32> to vector<16xf32>
        %parallel_loop3A_140 = arith.constant 16 : i32
        %parallel_loop3A_141 = arith.muli %parallel_loop3A_134, %parallel_loop3A_140 : i32
        %parallel_loop3A_142 = arith.constant 512 : i32
        %parallel_loop3A_143 = arith.addi %parallel_loop3A_142, %parallel_loop3A_141 : i32
        %parallel_loop3A_144 = arith.index_cast %parallel_loop3A_143 : i32 to index
        %parallel_loop3A_145 = tpu.vector_load %arg13[%parallel_loop3A_144] {strides = array<i32>} : memref<1024xf32, #tpu.memory_space<vmem>>, vector<16xf32>,
        %parallel_loop3A_146 = vector.shape_cast %parallel_loop3A_145 : vector<16xf32> to vector<16xf32>
        %parallel_loop3A_147 = arith.constant 16 : i32
        %parallel_loop3A_148 = arith.muli %parallel_loop3A_134, %parallel_loop3A_147 : i32
        %parallel_loop3A_149 = arith.constant 7168 : i32
        %parallel_loop3A_150 = arith.addi %parallel_loop3A_149, %parallel_loop3A_148 : i32
        %parallel_loop3A_151 = arith.index_cast %parallel_loop3A_150 : i32 to index
        %parallel_loop3A_152 = tpu.vector_load %arg10[%parallel_loop3A_151] {strides = array<i32>} : memref<8192xf32, #tpu.memory_space<vmem>>, vector<16xf32>,
        %parallel_loop3A_153 = vector.shape_cast %parallel_loop3A_152 : vector<16xf32> to vector<16xf32>
        %parallel_loop3A_154 = vector.shape_cast %parallel_loop3A_139 : vector<16xf32> to vector<16xf32>
        tpu.vector_store %arg10[%parallel_loop3A_151], %parallel_loop3A_154 {strides = array<i32>} : memref<8192xf32, #tpu.memory_space<vmem>>, vector<16xf32>,
        %parallel_loop3A_155 = arith.constant 16 : i32
        %parallel_loop3A_156 = arith.muli %parallel_loop3A_134, %parallel_loop3A_155 : i32
        %parallel_loop3A_157 = arith.constant 7680 : i32
        %parallel_loop3A_158 = arith.addi %parallel_loop3A_157, %parallel_loop3A_156 : i32
        %parallel_loop3A_159 = arith.index_cast %parallel_loop3A_158 : i32 to index
        %parallel_loop3A_160 = tpu.vector_load %arg10[%parallel_loop3A_159] {strides = array<i32>} : memref<8192xf32, #tpu.memory_space<vmem>>, vector<16xf32>,
        %parallel_loop3A_161 = vector.shape_cast %parallel_loop3A_160 : vector<16xf32> to vector<16xf32>
        %parallel_loop3A_162 = vector.shape_cast %parallel_loop3A_146 : vector<16xf32> to vector<16xf32>
        tpu.vector_store %arg10[%parallel_loop3A_159], %parallel_loop3A_162 {strides = array<i32>} : memref<8192xf32, #tpu.memory_space<vmem>>, vector<16xf32>,
      } {sc.loop_unroll_factor = 4 : i64, sc.parallel_access}
      %mul3A_77 = arith.constant 8 : i32
      %mul3A_78 = arith.muli %mul3A_36, %mul3A_77 : i32
      %add3A_79 = arith.addi %mul3A_2, %mul3A_78 : i32
      %mul3A_80 = arith.constant 1024 : i32
      %mul3A_81 = arith.muli %add3A_79, %mul3A_80 : i32
      %multiple_of3A_82 = tpu.assume_multiple %mul3A_81, 8 : i32
      %dma_start3A_83 = tpu.memref_slice %arg5[%multiple_of3A_82] : memref<16777216xf32, #tpu.memory_space<hbm>> -> memref<8192xf32, #tpu.memory_space<hbm>>
      %dma_start3A_84 = tpu.memref_slice %arg5[%multiple_of3A_82] : memref<16777216xf32, #tpu.memory_space<hbm>> -> memref<8192xf32, #tpu.memory_space<hbm>>
      tpu.enqueue_dma source(%arg10 : memref<8192xf32, #tpu.memory_space<vmem>>) target(%dma_start3A_84 : memref<8192xf32, #tpu.memory_space<hbm>>) target_semaphore(%arg16 : memref<!tpu.dma_semaphore, #tpu.memory_space<semaphore_mem>>)
      %dma_wait3A_85 = arith.constant 0 : i32
      %dma_wait3A_86 = arith.constant 0 : i32
      %dma_wait3A_87 = tpu.memref_slice %arg2[%dma_wait3A_85, %dma_wait3A_86] : memref<1792x512xi32, #tpu.memory_space<hbm>> -> memref<56x512xi32, #tpu.memory_space<hbm>>
      %dma_wait3A_88 = arith.constant 0 : i32
      %dma_wait3A_89 = arith.constant 0 : i32
      %dma_wait3A_90 = tpu.memref_slice %arg2[%dma_wait3A_88, %dma_wait3A_89] : memref<1792x512xi32, #tpu.memory_space<hbm>> -> memref<56x512xi32, #tpu.memory_space<hbm>>
      tpu.wait_dma2 semaphore(%arg15 : memref<!tpu.dma_semaphore, #tpu.memory_space<semaphore_mem>>) src(%dma_wait3A_90 : memref<56x512xi32, #tpu.memory_space<hbm>>) dst(%arg9 : memref<56x512xi32, #tpu.memory_space<vmem>>)
      %lt3A = arith.constant 31 : i32
      %lt3A_91 = arith.cmpi slt, %scan3A_34, %lt3A : i32
      %convert_element_type3A_92 = arith.extui %lt3A_91 : i1 to i32
      %cond3A_93 = arith.constant 0 : i32
      %cond3A_94 = arith.cmpi ne, %convert_element_type3A_92, %cond3A_93 : i32
      scf.if %cond3A_94 {
        %add3A_134 = arith.constant 2 : i32
        %add3A_135 = arith.addi %mul3A_36, %add3A_134 : i32
        %mul3A_136 = arith.constant 56 : i32
        %mul3A_137 = arith.muli %add3A_135, %mul3A_136 : i32
        %multiple_of3A_138 = tpu.assume_multiple %mul3A_137, 8 : i32
        %dma_start3A_139 = tpu.memref_slice %arg7[%multiple_of3A_138] : memref<3584xi32, #tpu.memory_space<vmem>> -> memref<56xi32, #tpu.memory_space<vmem>>
        %dma_start3A_140 = arith.constant 0 : i32
        %dma_start3A_141 = arith.constant 0 : i32
        %dma_start3A_142 = tpu.memref_slice %arg2[%dma_start3A_140, %dma_start3A_141] : memref<1792x512xi32, #tpu.memory_space<hbm>> -> memref<1792x512xi32, #tpu.memory_space<hbm>>
        tpu.enqueue_indirect_dma source(%dma_start3A_142 : memref<1792x512xi32, #tpu.memory_space<hbm>>) target(%arg8 : memref<56x512xi32, #tpu.memory_space<vmem>>) offsets(%dma_start3A_139 : memref<56xi32, #tpu.memory_space<vmem>>) semaphore(%arg14 : memref<!tpu.dma_semaphore, #tpu.memory_space<semaphore_mem>>)
      } else {
      }
      %gt3A_95 = arith.constant 0 : i32
      %gt3A_96 = arith.cmpi sgt, %scan3A_34, %gt3A_95 : i32
      %convert_element_type3A_97 = arith.extui %gt3A_96 : i1 to i32
      %cond3A_98 = arith.constant 0 : i32
      %cond3A_99 = arith.cmpi ne, %convert_element_type3A_97, %cond3A_98 : i32
      scf.if %cond3A_99 {
        %dma_wait3A_134 = arith.constant 0 : i32
        %dma_wait3A_135 = tpu.memref_slice %arg5[%dma_wait3A_134] : memref<16777216xf32, #tpu.memory_space<hbm>> -> memref<8192xf32, #tpu.memory_space<hbm>>
        %dma_wait3A_136 = arith.constant 0 : i32
        %dma_wait3A_137 = tpu.memref_slice %arg5[%dma_wait3A_136] : memref<16777216xf32, #tpu.memory_space<hbm>> -> memref<8192xf32, #tpu.memory_space<hbm>>
        tpu.wait_dma2 semaphore(%arg17 : memref<!tpu.dma_semaphore, #tpu.memory_space<semaphore_mem>>) src(%arg11 : memref<8192xf32, #tpu.memory_space<vmem>>) dst(%dma_wait3A_137 : memref<8192xf32, #tpu.memory_space<hbm>>)
      } else {
      }
      %parallel_loop3A_100 = arith.constant 0 : i32
      %parallel_loop3A_101 = arith.constant 32 : i32
      %parallel_loop3A_102 = arith.constant 1 : i32
      scf.for %parallel_loop3A_134 = %parallel_loop3A_100 to %parallel_loop3A_101 step %parallel_loop3A_102  : i32 {
        %parallel_loop3A_135 = arith.constant 16 : i32
        %parallel_loop3A_136 = arith.muli %parallel_loop3A_134, %parallel_loop3A_135 : i32
        %parallel_loop3A_137 = arith.index_cast %parallel_loop3A_136 : i32 to index
        %parallel_loop3A_138 = tpu.vector_load %arg13[%parallel_loop3A_137] {strides = array<i32>} : memref<1024xf32, #tpu.memory_space<vmem>>, vector<16xf32>,
        %parallel_loop3A_139 = vector.shape_cast %parallel_loop3A_138 : vector<16xf32> to vector<16xf32>
        %parallel_loop3A_140 = arith.constant 16 : i32
        %parallel_loop3A_141 = arith.muli %parallel_loop3A_134, %parallel_loop3A_140 : i32
        %parallel_loop3A_142 = arith.constant 512 : i32
        %parallel_loop3A_143 = arith.addi %parallel_loop3A_142, %parallel_loop3A_141 : i32
        %parallel_loop3A_144 = arith.index_cast %parallel_loop3A_143 : i32 to index
        %parallel_loop3A_145 = tpu.vector_load %arg13[%parallel_loop3A_144] {strides = array<i32>} : memref<1024xf32, #tpu.memory_space<vmem>>, vector<16xf32>,
        %parallel_loop3A_146 = vector.shape_cast %parallel_loop3A_145 : vector<16xf32> to vector<16xf32>
        %parallel_loop3A_147 = arith.constant 16 : i32
        %parallel_loop3A_148 = arith.muli %parallel_loop3A_134, %parallel_loop3A_147 : i32
        %parallel_loop3A_149 = arith.constant 0 : i32
        %parallel_loop3A_150 = arith.addi %parallel_loop3A_149, %parallel_loop3A_148 : i32
        %parallel_loop3A_151 = arith.index_cast %parallel_loop3A_150 : i32 to index
        %parallel_loop3A_152 = tpu.vector_load %arg11[%parallel_loop3A_151] {strides = array<i32>} : memref<8192xf32, #tpu.memory_space<vmem>>, vector<16xf32>,
        %parallel_loop3A_153 = vector.shape_cast %parallel_loop3A_152 : vector<16xf32> to vector<16xf32>
        %parallel_loop3A_154 = vector.shape_cast %parallel_loop3A_139 : vector<16xf32> to vector<16xf32>
        tpu.vector_store %arg11[%parallel_loop3A_151], %parallel_loop3A_154 {strides = array<i32>} : memref<8192xf32, #tpu.memory_space<vmem>>, vector<16xf32>,
        %parallel_loop3A_155 = arith.constant 16 : i32
        %parallel_loop3A_156 = arith.muli %parallel_loop3A_134, %parallel_loop3A_155 : i32
        %parallel_loop3A_157 = arith.constant 512 : i32
        %parallel_loop3A_158 = arith.addi %parallel_loop3A_157, %parallel_loop3A_156 : i32
        %parallel_loop3A_159 = arith.index_cast %parallel_loop3A_158 : i32 to index
        %parallel_loop3A_160 = tpu.vector_load %arg11[%parallel_loop3A_159] {strides = array<i32>} : memref<8192xf32, #tpu.memory_space<vmem>>, vector<16xf32>,
        %parallel_loop3A_161 = vector.shape_cast %parallel_loop3A_160 : vector<16xf32> to vector<16xf32>
        %parallel_loop3A_162 = vector.shape_cast %parallel_loop3A_146 : vector<16xf32> to vector<16xf32>
        tpu.vector_store %arg11[%parallel_loop3A_159], %parallel_loop3A_162 {strides = array<i32>} : memref<8192xf32, #tpu.memory_space<vmem>>, vector<16xf32>,
      } {sc.loop_unroll_factor = 4 : i64, sc.parallel_access}
      %parallel_loop3A_103 = arith.constant 0 : i32
      %parallel_loop3A_104 = arith.constant 32 : i32
      %parallel_loop3A_105 = arith.constant 1 : i32
      scf.for %parallel_loop3A_134 = %parallel_loop3A_103 to %parallel_loop3A_104 step %parallel_loop3A_105  : i32 {
        %parallel_loop3A_135 = arith.constant 16 : i32
        %parallel_loop3A_136 = arith.muli %parallel_loop3A_134, %parallel_loop3A_135 : i32
        %parallel_loop3A_137 = arith.index_cast %parallel_loop3A_136 : i32 to index
        %parallel_loop3A_138 = tpu.vector_load %arg13[%parallel_loop3A_137] {strides = array<i32>} : memref<1024xf32, #tpu.memory_space<vmem>>, vector<16xf32>,
        %parallel_loop3A_139 = vector.shape_cast %parallel_loop3A_138 : vector<16xf32> to vector<16xf32>
        %parallel_loop3A_140 = arith.constant 16 : i32
        %parallel_loop3A_141 = arith.muli %parallel_loop3A_134, %parallel_loop3A_140 : i32
        %parallel_loop3A_142 = arith.constant 512 : i32
        %parallel_loop3A_143 = arith.addi %parallel_loop3A_142, %parallel_loop3A_141 : i32
        %parallel_loop3A_144 = arith.index_cast %parallel_loop3A_143 : i32 to index
        %parallel_loop3A_145 = tpu.vector_load %arg13[%parallel_loop3A_144] {strides = array<i32>} : memref<1024xf32, #tpu.memory_space<vmem>>, vector<16xf32>,
        %parallel_loop3A_146 = vector.shape_cast %parallel_loop3A_145 : vector<16xf32> to vector<16xf32>
        %parallel_loop3A_147 = arith.constant 16 : i32
        %parallel_loop3A_148 = arith.muli %parallel_loop3A_134, %parallel_loop3A_147 : i32
        %parallel_loop3A_149 = arith.constant 1024 : i32
        %parallel_loop3A_150 = arith.addi %parallel_loop3A_149, %parallel_loop3A_148 : i32
        %parallel_loop3A_151 = arith.index_cast %parallel_loop3A_150 : i32 to index
        %parallel_loop3A_152 = tpu.vector_load %arg11[%parallel_loop3A_151] {strides = array<i32>} : memref<8192xf32, #tpu.memory_space<vmem>>, vector<16xf32>,
        %parallel_loop3A_153 = vector.shape_cast %parallel_loop3A_152 : vector<16xf32> to vector<16xf32>
        %parallel_loop3A_154 = vector.shape_cast %parallel_loop3A_139 : vector<16xf32> to vector<16xf32>
        tpu.vector_store %arg11[%parallel_loop3A_151], %parallel_loop3A_154 {strides = array<i32>} : memref<8192xf32, #tpu.memory_space<vmem>>, vector<16xf32>,
        %parallel_loop3A_155 = arith.constant 16 : i32
        %parallel_loop3A_156 = arith.muli %parallel_loop3A_134, %parallel_loop3A_155 : i32
        %parallel_loop3A_157 = arith.constant 1536 : i32
        %parallel_loop3A_158 = arith.addi %parallel_loop3A_157, %parallel_loop3A_156 : i32
        %parallel_loop3A_159 = arith.index_cast %parallel_loop3A_158 : i32 to index
        %parallel_loop3A_160 = tpu.vector_load %arg11[%parallel_loop3A_159] {strides = array<i32>} : memref<8192xf32, #tpu.memory_space<vmem>>, vector<16xf32>,
        %parallel_loop3A_161 = vector.shape_cast %parallel_loop3A_160 : vector<16xf32> to vector<16xf32>
        %parallel_loop3A_162 = vector.shape_cast %parallel_loop3A_146 : vector<16xf32> to vector<16xf32>
        tpu.vector_store %arg11[%parallel_loop3A_159], %parallel_loop3A_162 {strides = array<i32>} : memref<8192xf32, #tpu.memory_space<vmem>>, vector<16xf32>,
      } {sc.loop_unroll_factor = 4 : i64, sc.parallel_access}
      %parallel_loop3A_106 = arith.constant 0 : i32
      %parallel_loop3A_107 = arith.constant 32 : i32
      %parallel_loop3A_108 = arith.constant 1 : i32
      scf.for %parallel_loop3A_134 = %parallel_loop3A_106 to %parallel_loop3A_107 step %parallel_loop3A_108  : i32 {
        %parallel_loop3A_135 = arith.constant 16 : i32
        %parallel_loop3A_136 = arith.muli %parallel_loop3A_134, %parallel_loop3A_135 : i32
        %parallel_loop3A_137 = arith.index_cast %parallel_loop3A_136 : i32 to index
        %parallel_loop3A_138 = tpu.vector_load %arg13[%parallel_loop3A_137] {strides = array<i32>} : memref<1024xf32, #tpu.memory_space<vmem>>, vector<16xf32>,
        %parallel_loop3A_139 = vector.shape_cast %parallel_loop3A_138 : vector<16xf32> to vector<16xf32>
        %parallel_loop3A_140 = arith.constant 16 : i32
        %parallel_loop3A_141 = arith.muli %parallel_loop3A_134, %parallel_loop3A_140 : i32
        %parallel_loop3A_142 = arith.constant 512 : i32
        %parallel_loop3A_143 = arith.addi %parallel_loop3A_142, %parallel_loop3A_141 : i32
        %parallel_loop3A_144 = arith.index_cast %parallel_loop3A_143 : i32 to index
        %parallel_loop3A_145 = tpu.vector_load %arg13[%parallel_loop3A_144] {strides = array<i32>} : memref<1024xf32, #tpu.memory_space<vmem>>, vector<16xf32>,
        %parallel_loop3A_146 = vector.shape_cast %parallel_loop3A_145 : vector<16xf32> to vector<16xf32>
        %parallel_loop3A_147 = arith.constant 16 : i32
        %parallel_loop3A_148 = arith.muli %parallel_loop3A_134, %parallel_loop3A_147 : i32
        %parallel_loop3A_149 = arith.constant 2048 : i32
        %parallel_loop3A_150 = arith.addi %parallel_loop3A_149, %parallel_loop3A_148 : i32
        %parallel_loop3A_151 = arith.index_cast %parallel_loop3A_150 : i32 to index
        %parallel_loop3A_152 = tpu.vector_load %arg11[%parallel_loop3A_151] {strides = array<i32>} : memref<8192xf32, #tpu.memory_space<vmem>>, vector<16xf32>,
        %parallel_loop3A_153 = vector.shape_cast %parallel_loop3A_152 : vector<16xf32> to vector<16xf32>
        %parallel_loop3A_154 = vector.shape_cast %parallel_loop3A_139 : vector<16xf32> to vector<16xf32>
        tpu.vector_store %arg11[%parallel_loop3A_151], %parallel_loop3A_154 {strides = array<i32>} : memref<8192xf32, #tpu.memory_space<vmem>>, vector<16xf32>,
        %parallel_loop3A_155 = arith.constant 16 : i32
        %parallel_loop3A_156 = arith.muli %parallel_loop3A_134, %parallel_loop3A_155 : i32
        %parallel_loop3A_157 = arith.constant 2560 : i32
        %parallel_loop3A_158 = arith.addi %parallel_loop3A_157, %parallel_loop3A_156 : i32
        %parallel_loop3A_159 = arith.index_cast %parallel_loop3A_158 : i32 to index
        %parallel_loop3A_160 = tpu.vector_load %arg11[%parallel_loop3A_159] {strides = array<i32>} : memref<8192xf32, #tpu.memory_space<vmem>>, vector<16xf32>,
        %parallel_loop3A_161 = vector.shape_cast %parallel_loop3A_160 : vector<16xf32> to vector<16xf32>
        %parallel_loop3A_162 = vector.shape_cast %parallel_loop3A_146 : vector<16xf32> to vector<16xf32>
        tpu.vector_store %arg11[%parallel_loop3A_159], %parallel_loop3A_162 {strides = array<i32>} : memref<8192xf32, #tpu.memory_space<vmem>>, vector<16xf32>,
      } {sc.loop_unroll_factor = 4 : i64, sc.parallel_access}
      %parallel_loop3A_109 = arith.constant 0 : i32
      %parallel_loop3A_110 = arith.constant 32 : i32
      %parallel_loop3A_111 = arith.constant 1 : i32
      scf.for %parallel_loop3A_134 = %parallel_loop3A_109 to %parallel_loop3A_110 step %parallel_loop3A_111  : i32 {
        %parallel_loop3A_135 = arith.constant 16 : i32
        %parallel_loop3A_136 = arith.muli %parallel_loop3A_134, %parallel_loop3A_135 : i32
        %parallel_loop3A_137 = arith.index_cast %parallel_loop3A_136 : i32 to index
        %parallel_loop3A_138 = tpu.vector_load %arg13[%parallel_loop3A_137] {strides = array<i32>} : memref<1024xf32, #tpu.memory_space<vmem>>, vector<16xf32>,
        %parallel_loop3A_139 = vector.shape_cast %parallel_loop3A_138 : vector<16xf32> to vector<16xf32>
        %parallel_loop3A_140 = arith.constant 16 : i32
        %parallel_loop3A_141 = arith.muli %parallel_loop3A_134, %parallel_loop3A_140 : i32
        %parallel_loop3A_142 = arith.constant 512 : i32
        %parallel_loop3A_143 = arith.addi %parallel_loop3A_142, %parallel_loop3A_141 : i32
        %parallel_loop3A_144 = arith.index_cast %parallel_loop3A_143 : i32 to index
        %parallel_loop3A_145 = tpu.vector_load %arg13[%parallel_loop3A_144] {strides = array<i32>} : memref<1024xf32, #tpu.memory_space<vmem>>, vector<16xf32>,
        %parallel_loop3A_146 = vector.shape_cast %parallel_loop3A_145 : vector<16xf32> to vector<16xf32>
        %parallel_loop3A_147 = arith.constant 16 : i32
        %parallel_loop3A_148 = arith.muli %parallel_loop3A_134, %parallel_loop3A_147 : i32
        %parallel_loop3A_149 = arith.constant 3072 : i32
        %parallel_loop3A_150 = arith.addi %parallel_loop3A_149, %parallel_loop3A_148 : i32
        %parallel_loop3A_151 = arith.index_cast %parallel_loop3A_150 : i32 to index
        %parallel_loop3A_152 = tpu.vector_load %arg11[%parallel_loop3A_151] {strides = array<i32>} : memref<8192xf32, #tpu.memory_space<vmem>>, vector<16xf32>,
        %parallel_loop3A_153 = vector.shape_cast %parallel_loop3A_152 : vector<16xf32> to vector<16xf32>
        %parallel_loop3A_154 = vector.shape_cast %parallel_loop3A_139 : vector<16xf32> to vector<16xf32>
        tpu.vector_store %arg11[%parallel_loop3A_151], %parallel_loop3A_154 {strides = array<i32>} : memref<8192xf32, #tpu.memory_space<vmem>>, vector<16xf32>,
        %parallel_loop3A_155 = arith.constant 16 : i32
        %parallel_loop3A_156 = arith.muli %parallel_loop3A_134, %parallel_loop3A_155 : i32
        %parallel_loop3A_157 = arith.constant 3584 : i32
        %parallel_loop3A_158 = arith.addi %parallel_loop3A_157, %parallel_loop3A_156 : i32
        %parallel_loop3A_159 = arith.index_cast %parallel_loop3A_158 : i32 to index
        %parallel_loop3A_160 = tpu.vector_load %arg11[%parallel_loop3A_159] {strides = array<i32>} : memref<8192xf32, #tpu.memory_space<vmem>>, vector<16xf32>,
        %parallel_loop3A_161 = vector.shape_cast %parallel_loop3A_160 : vector<16xf32> to vector<16xf32>
        %parallel_loop3A_162 = vector.shape_cast %parallel_loop3A_146 : vector<16xf32> to vector<16xf32>
        tpu.vector_store %arg11[%parallel_loop3A_159], %parallel_loop3A_162 {strides = array<i32>} : memref<8192xf32, #tpu.memory_space<vmem>>, vector<16xf32>,
      } {sc.loop_unroll_factor = 4 : i64, sc.parallel_access}
      %parallel_loop3A_112 = arith.constant 0 : i32
      %parallel_loop3A_113 = arith.constant 32 : i32
      %parallel_loop3A_114 = arith.constant 1 : i32
      scf.for %parallel_loop3A_134 = %parallel_loop3A_112 to %parallel_loop3A_113 step %parallel_loop3A_114  : i32 {
        %parallel_loop3A_135 = arith.constant 16 : i32
        %parallel_loop3A_136 = arith.muli %parallel_loop3A_134, %parallel_loop3A_135 : i32
        %parallel_loop3A_137 = arith.index_cast %parallel_loop3A_136 : i32 to index
        %parallel_loop3A_138 = tpu.vector_load %arg13[%parallel_loop3A_137] {strides = array<i32>} : memref<1024xf32, #tpu.memory_space<vmem>>, vector<16xf32>,
        %parallel_loop3A_139 = vector.shape_cast %parallel_loop3A_138 : vector<16xf32> to vector<16xf32>
        %parallel_loop3A_140 = arith.constant 16 : i32
        %parallel_loop3A_141 = arith.muli %parallel_loop3A_134, %parallel_loop3A_140 : i32
        %parallel_loop3A_142 = arith.constant 512 : i32
        %parallel_loop3A_143 = arith.addi %parallel_loop3A_142, %parallel_loop3A_141 : i32
        %parallel_loop3A_144 = arith.index_cast %parallel_loop3A_143 : i32 to index
        %parallel_loop3A_145 = tpu.vector_load %arg13[%parallel_loop3A_144] {strides = array<i32>} : memref<1024xf32, #tpu.memory_space<vmem>>, vector<16xf32>,
        %parallel_loop3A_146 = vector.shape_cast %parallel_loop3A_145 : vector<16xf32> to vector<16xf32>
        %parallel_loop3A_147 = arith.constant 16 : i32
        %parallel_loop3A_148 = arith.muli %parallel_loop3A_134, %parallel_loop3A_147 : i32
        %parallel_loop3A_149 = arith.constant 4096 : i32
        %parallel_loop3A_150 = arith.addi %parallel_loop3A_149, %parallel_loop3A_148 : i32
        %parallel_loop3A_151 = arith.index_cast %parallel_loop3A_150 : i32 to index
        %parallel_loop3A_152 = tpu.vector_load %arg11[%parallel_loop3A_151] {strides = array<i32>} : memref<8192xf32, #tpu.memory_space<vmem>>, vector<16xf32>,
        %parallel_loop3A_153 = vector.shape_cast %parallel_loop3A_152 : vector<16xf32> to vector<16xf32>
        %parallel_loop3A_154 = vector.shape_cast %parallel_loop3A_139 : vector<16xf32> to vector<16xf32>
        tpu.vector_store %arg11[%parallel_loop3A_151], %parallel_loop3A_154 {strides = array<i32>} : memref<8192xf32, #tpu.memory_space<vmem>>, vector<16xf32>,
        %parallel_loop3A_155 = arith.constant 16 : i32
        %parallel_loop3A_156 = arith.muli %parallel_loop3A_134, %parallel_loop3A_155 : i32
        %parallel_loop3A_157 = arith.constant 4608 : i32
        %parallel_loop3A_158 = arith.addi %parallel_loop3A_157, %parallel_loop3A_156 : i32
        %parallel_loop3A_159 = arith.index_cast %parallel_loop3A_158 : i32 to index
        %parallel_loop3A_160 = tpu.vector_load %arg11[%parallel_loop3A_159] {strides = array<i32>} : memref<8192xf32, #tpu.memory_space<vmem>>, vector<16xf32>,
        %parallel_loop3A_161 = vector.shape_cast %parallel_loop3A_160 : vector<16xf32> to vector<16xf32>
        %parallel_loop3A_162 = vector.shape_cast %parallel_loop3A_146 : vector<16xf32> to vector<16xf32>
        tpu.vector_store %arg11[%parallel_loop3A_159], %parallel_loop3A_162 {strides = array<i32>} : memref<8192xf32, #tpu.memory_space<vmem>>, vector<16xf32>,
      } {sc.loop_unroll_factor = 4 : i64, sc.parallel_access}
      %parallel_loop3A_115 = arith.constant 0 : i32
      %parallel_loop3A_116 = arith.constant 32 : i32
      %parallel_loop3A_117 = arith.constant 1 : i32
      scf.for %parallel_loop3A_134 = %parallel_loop3A_115 to %parallel_loop3A_116 step %parallel_loop3A_117  : i32 {
        %parallel_loop3A_135 = arith.constant 16 : i32
        %parallel_loop3A_136 = arith.muli %parallel_loop3A_134, %parallel_loop3A_135 : i32
        %parallel_loop3A_137 = arith.index_cast %parallel_loop3A_136 : i32 to index
        %parallel_loop3A_138 = tpu.vector_load %arg13[%parallel_loop3A_137] {strides = array<i32>} : memref<1024xf32, #tpu.memory_space<vmem>>, vector<16xf32>,
        %parallel_loop3A_139 = vector.shape_cast %parallel_loop3A_138 : vector<16xf32> to vector<16xf32>
        %parallel_loop3A_140 = arith.constant 16 : i32
        %parallel_loop3A_141 = arith.muli %parallel_loop3A_134, %parallel_loop3A_140 : i32
        %parallel_loop3A_142 = arith.constant 512 : i32
        %parallel_loop3A_143 = arith.addi %parallel_loop3A_142, %parallel_loop3A_141 : i32
        %parallel_loop3A_144 = arith.index_cast %parallel_loop3A_143 : i32 to index
        %parallel_loop3A_145 = tpu.vector_load %arg13[%parallel_loop3A_144] {strides = array<i32>} : memref<1024xf32, #tpu.memory_space<vmem>>, vector<16xf32>,
        %parallel_loop3A_146 = vector.shape_cast %parallel_loop3A_145 : vector<16xf32> to vector<16xf32>
        %parallel_loop3A_147 = arith.constant 16 : i32
        %parallel_loop3A_148 = arith.muli %parallel_loop3A_134, %parallel_loop3A_147 : i32
        %parallel_loop3A_149 = arith.constant 5120 : i32
        %parallel_loop3A_150 = arith.addi %parallel_loop3A_149, %parallel_loop3A_148 : i32
        %parallel_loop3A_151 = arith.index_cast %parallel_loop3A_150 : i32 to index
        %parallel_loop3A_152 = tpu.vector_load %arg11[%parallel_loop3A_151] {strides = array<i32>} : memref<8192xf32, #tpu.memory_space<vmem>>, vector<16xf32>,
        %parallel_loop3A_153 = vector.shape_cast %parallel_loop3A_152 : vector<16xf32> to vector<16xf32>
        %parallel_loop3A_154 = vector.shape_cast %parallel_loop3A_139 : vector<16xf32> to vector<16xf32>
        tpu.vector_store %arg11[%parallel_loop3A_151], %parallel_loop3A_154 {strides = array<i32>} : memref<8192xf32, #tpu.memory_space<vmem>>, vector<16xf32>,
        %parallel_loop3A_155 = arith.constant 16 : i32
        %parallel_loop3A_156 = arith.muli %parallel_loop3A_134, %parallel_loop3A_155 : i32
        %parallel_loop3A_157 = arith.constant 5632 : i32
        %parallel_loop3A_158 = arith.addi %parallel_loop3A_157, %parallel_loop3A_156 : i32
        %parallel_loop3A_159 = arith.index_cast %parallel_loop3A_158 : i32 to index
        %parallel_loop3A_160 = tpu.vector_load %arg11[%parallel_loop3A_159] {strides = array<i32>} : memref<8192xf32, #tpu.memory_space<vmem>>, vector<16xf32>,
        %parallel_loop3A_161 = vector.shape_cast %parallel_loop3A_160 : vector<16xf32> to vector<16xf32>
        %parallel_loop3A_162 = vector.shape_cast %parallel_loop3A_146 : vector<16xf32> to vector<16xf32>
        tpu.vector_store %arg11[%parallel_loop3A_159], %parallel_loop3A_162 {strides = array<i32>} : memref<8192xf32, #tpu.memory_space<vmem>>, vector<16xf32>,
      } {sc.loop_unroll_factor = 4 : i64, sc.parallel_access}
      %parallel_loop3A_118 = arith.constant 0 : i32
      %parallel_loop3A_119 = arith.constant 32 : i32
      %parallel_loop3A_120 = arith.constant 1 : i32
      scf.for %parallel_loop3A_134 = %parallel_loop3A_118 to %parallel_loop3A_119 step %parallel_loop3A_120  : i32 {
        %parallel_loop3A_135 = arith.constant 16 : i32
        %parallel_loop3A_136 = arith.muli %parallel_loop3A_134, %parallel_loop3A_135 : i32
        %parallel_loop3A_137 = arith.index_cast %parallel_loop3A_136 : i32 to index
        %parallel_loop3A_138 = tpu.vector_load %arg13[%parallel_loop3A_137] {strides = array<i32>} : memref<1024xf32, #tpu.memory_space<vmem>>, vector<16xf32>,
        %parallel_loop3A_139 = vector.shape_cast %parallel_loop3A_138 : vector<16xf32> to vector<16xf32>
        %parallel_loop3A_140 = arith.constant 16 : i32
        %parallel_loop3A_141 = arith.muli %parallel_loop3A_134, %parallel_loop3A_140 : i32
        %parallel_loop3A_142 = arith.constant 512 : i32
        %parallel_loop3A_143 = arith.addi %parallel_loop3A_142, %parallel_loop3A_141 : i32
        %parallel_loop3A_144 = arith.index_cast %parallel_loop3A_143 : i32 to index
        %parallel_loop3A_145 = tpu.vector_load %arg13[%parallel_loop3A_144] {strides = array<i32>} : memref<1024xf32, #tpu.memory_space<vmem>>, vector<16xf32>,
        %parallel_loop3A_146 = vector.shape_cast %parallel_loop3A_145 : vector<16xf32> to vector<16xf32>
        %parallel_loop3A_147 = arith.constant 16 : i32
        %parallel_loop3A_148 = arith.muli %parallel_loop3A_134, %parallel_loop3A_147 : i32
        %parallel_loop3A_149 = arith.constant 6144 : i32
        %parallel_loop3A_150 = arith.addi %parallel_loop3A_149, %parallel_loop3A_148 : i32
        %parallel_loop3A_151 = arith.index_cast %parallel_loop3A_150 : i32 to index
        %parallel_loop3A_152 = tpu.vector_load %arg11[%parallel_loop3A_151] {strides = array<i32>} : memref<8192xf32, #tpu.memory_space<vmem>>, vector<16xf32>,
        %parallel_loop3A_153 = vector.shape_cast %parallel_loop3A_152 : vector<16xf32> to vector<16xf32>
        %parallel_loop3A_154 = vector.shape_cast %parallel_loop3A_139 : vector<16xf32> to vector<16xf32>
        tpu.vector_store %arg11[%parallel_loop3A_151], %parallel_loop3A_154 {strides = array<i32>} : memref<8192xf32, #tpu.memory_space<vmem>>, vector<16xf32>,
        %parallel_loop3A_155 = arith.constant 16 : i32
        %parallel_loop3A_156 = arith.muli %parallel_loop3A_134, %parallel_loop3A_155 : i32
        %parallel_loop3A_157 = arith.constant 6656 : i32
        %parallel_loop3A_158 = arith.addi %parallel_loop3A_157, %parallel_loop3A_156 : i32
        %parallel_loop3A_159 = arith.index_cast %parallel_loop3A_158 : i32 to index
        %parallel_loop3A_160 = tpu.vector_load %arg11[%parallel_loop3A_159] {strides = array<i32>} : memref<8192xf32, #tpu.memory_space<vmem>>, vector<16xf32>,
        %parallel_loop3A_161 = vector.shape_cast %parallel_loop3A_160 : vector<16xf32> to vector<16xf32>
        %parallel_loop3A_162 = vector.shape_cast %parallel_loop3A_146 : vector<16xf32> to vector<16xf32>
        tpu.vector_store %arg11[%parallel_loop3A_159], %parallel_loop3A_162 {strides = array<i32>} : memref<8192xf32, #tpu.memory_space<vmem>>, vector<16xf32>,
      } {sc.loop_unroll_factor = 4 : i64, sc.parallel_access}
      %parallel_loop3A_121 = arith.constant 0 : i32
      %parallel_loop3A_122 = arith.constant 32 : i32
      %parallel_loop3A_123 = arith.constant 1 : i32
      scf.for %parallel_loop3A_134 = %parallel_loop3A_121 to %parallel_loop3A_122 step %parallel_loop3A_123  : i32 {
        %parallel_loop3A_135 = arith.constant 16 : i32
        %parallel_loop3A_136 = arith.muli %parallel_loop3A_134, %parallel_loop3A_135 : i32
        %parallel_loop3A_137 = arith.index_cast %parallel_loop3A_136 : i32 to index
        %parallel_loop3A_138 = tpu.vector_load %arg13[%parallel_loop3A_137] {strides = array<i32>} : memref<1024xf32, #tpu.memory_space<vmem>>, vector<16xf32>,
        %parallel_loop3A_139 = vector.shape_cast %parallel_loop3A_138 : vector<16xf32> to vector<16xf32>
        %parallel_loop3A_140 = arith.constant 16 : i32
        %parallel_loop3A_141 = arith.muli %parallel_loop3A_134, %parallel_loop3A_140 : i32
        %parallel_loop3A_142 = arith.constant 512 : i32
        %parallel_loop3A_143 = arith.addi %parallel_loop3A_142, %parallel_loop3A_141 : i32
        %parallel_loop3A_144 = arith.index_cast %parallel_loop3A_143 : i32 to index
        %parallel_loop3A_145 = tpu.vector_load %arg13[%parallel_loop3A_144] {strides = array<i32>} : memref<1024xf32, #tpu.memory_space<vmem>>, vector<16xf32>,
        %parallel_loop3A_146 = vector.shape_cast %parallel_loop3A_145 : vector<16xf32> to vector<16xf32>
        %parallel_loop3A_147 = arith.constant 16 : i32
        %parallel_loop3A_148 = arith.muli %parallel_loop3A_134, %parallel_loop3A_147 : i32
        %parallel_loop3A_149 = arith.constant 7168 : i32
        %parallel_loop3A_150 = arith.addi %parallel_loop3A_149, %parallel_loop3A_148 : i32
        %parallel_loop3A_151 = arith.index_cast %parallel_loop3A_150 : i32 to index
        %parallel_loop3A_152 = tpu.vector_load %arg11[%parallel_loop3A_151] {strides = array<i32>} : memref<8192xf32, #tpu.memory_space<vmem>>, vector<16xf32>,
        %parallel_loop3A_153 = vector.shape_cast %parallel_loop3A_152 : vector<16xf32> to vector<16xf32>
        %parallel_loop3A_154 = vector.shape_cast %parallel_loop3A_139 : vector<16xf32> to vector<16xf32>
        tpu.vector_store %arg11[%parallel_loop3A_151], %parallel_loop3A_154 {strides = array<i32>} : memref<8192xf32, #tpu.memory_space<vmem>>, vector<16xf32>,
        %parallel_loop3A_155 = arith.constant 16 : i32
        %parallel_loop3A_156 = arith.muli %parallel_loop3A_134, %parallel_loop3A_155 : i32
        %parallel_loop3A_157 = arith.constant 7680 : i32
        %parallel_loop3A_158 = arith.addi %parallel_loop3A_157, %parallel_loop3A_156 : i32
        %parallel_loop3A_159 = arith.index_cast %parallel_loop3A_158 : i32 to index
        %parallel_loop3A_160 = tpu.vector_load %arg11[%parallel_loop3A_159] {strides = array<i32>} : memref<8192xf32, #tpu.memory_space<vmem>>, vector<16xf32>,
        %parallel_loop3A_161 = vector.shape_cast %parallel_loop3A_160 : vector<16xf32> to vector<16xf32>
        %parallel_loop3A_162 = vector.shape_cast %parallel_loop3A_146 : vector<16xf32> to vector<16xf32>
        tpu.vector_store %arg11[%parallel_loop3A_159], %parallel_loop3A_162 {strides = array<i32>} : memref<8192xf32, #tpu.memory_space<vmem>>, vector<16xf32>,
      } {sc.loop_unroll_factor = 4 : i64, sc.parallel_access}
      %add3A_124 = arith.constant 1 : i32
      %add3A_125 = arith.addi %mul3A_36, %add3A_124 : i32
      %mul3A_126 = arith.constant 8 : i32
      %mul3A_127 = arith.muli %add3A_125, %mul3A_126 : i32
      %add3A_128 = arith.addi %mul3A_2, %mul3A_127 : i32
      %mul3A_129 = arith.constant 1024 : i32
      %mul3A_130 = arith.muli %add3A_128, %mul3A_129 : i32
      %multiple_of3A_131 = tpu.assume_multiple %mul3A_130, 8 : i32
      %dma_start3A_132 = tpu.memref_slice %arg5[%multiple_of3A_131] : memref<16777216xf32, #tpu.memory_space<hbm>> -> memref<8192xf32, #tpu.memory_space<hbm>>
      %dma_start3A_133 = tpu.memref_slice %arg5[%multiple_of3A_131] : memref<16777216xf32, #tpu.memory_space<hbm>> -> memref<8192xf32, #tpu.memory_space<hbm>>
      tpu.enqueue_dma source(%arg11 : memref<8192xf32, #tpu.memory_space<vmem>>) target(%dma_start3A_133 : memref<8192xf32, #tpu.memory_space<hbm>>) target_semaphore(%arg17 : memref<!tpu.dma_semaphore, #tpu.memory_space<semaphore_mem>>)
    }
    %scan3A_26 = arith.constant 32 : i32
    %dma_wait3A = arith.constant 0 : i32
    %dma_wait3A_27 = tpu.memref_slice %arg5[%dma_wait3A] : memref<16777216xf32, #tpu.memory_space<hbm>> -> memref<8192xf32, #tpu.memory_space<hbm>>
    %dma_wait3A_28 = arith.constant 0 : i32
    %dma_wait3A_29 = tpu.memref_slice %arg5[%dma_wait3A_28] : memref<16777216xf32, #tpu.memory_space<hbm>> -> memref<8192xf32, #tpu.memory_space<hbm>>
    tpu.wait_dma2 semaphore(%arg16 : memref<!tpu.dma_semaphore, #tpu.memory_space<semaphore_mem>>) src(%arg10 : memref<8192xf32, #tpu.memory_space<vmem>>) dst(%dma_wait3A_29 : memref<8192xf32, #tpu.memory_space<hbm>>)
    %dma_wait3A_30 = arith.constant 0 : i32
    %dma_wait3A_31 = tpu.memref_slice %arg5[%dma_wait3A_30] : memref<16777216xf32, #tpu.memory_space<hbm>> -> memref<8192xf32, #tpu.memory_space<hbm>>
    %dma_wait3A_32 = arith.constant 0 : i32
    %dma_wait3A_33 = tpu.memref_slice %arg5[%dma_wait3A_32] : memref<16777216xf32, #tpu.memory_space<hbm>> -> memref<8192xf32, #tpu.memory_space<hbm>>
    tpu.wait_dma2 semaphore(%arg17 : memref<!tpu.dma_semaphore, #tpu.memory_space<semaphore_mem>>) src(%arg11 : memref<8192xf32, #tpu.memory_space<vmem>>) dst(%dma_wait3A_33 : memref<8192xf32, #tpu.memory_space<hbm>>)
    return
  }
}

module attributes {stable_mosaic.version = 14 : i64} {
  func.func @_fuse_kernel(%arg0: i32, %arg1: memref<256x1024xf32, #tpu.memory_space<vmem>>, %arg2: memref<1024x1024xf32, #tpu.memory_space<vmem>>, %arg3: memref<256x1024xbf16, #tpu.memory_space<vmem>>) attributes {dimension_semantics = [#tpu.dimension_semantics<arbitrary>], iteration_bounds = array<i64: 7>, scalar_prefetch = 0 : i64, scratch_operands = 0 : i64, tpu.core_type = #tpu.core_type<tc>, window_params = [{pipeline_mode = #tpu.pipeline_mode<synchronous>, transform_indices = @transform_0, window_bounds = array<i64: 256, 1024>}, {transform_indices = @transform_1, window_bounds = array<i64: 1024, 1024>}, {transform_indices = @transform_2, window_bounds = array<i64: 256, 1024>}]} {
    %get3A = arith.constant 0 : index
    %get3A_0 = arith.constant 0 : index
    %get3A_1 = vector.load %arg1[%get3A, %get3A_0] : memref<256x1024xf32, #tpu.memory_space<vmem>>, vector<256x1024xf32>
    %get3A_2 = arith.constant 0 : index
    %get3A_3 = arith.constant 0 : index
    %get3A_4 = vector.load %arg2[%get3A_2, %get3A_3] : memref<1024x1024xf32, #tpu.memory_space<vmem>>, vector<1024x1024xf32>
    %dot_general3A = arith.constant dense<0.000000e+00> : vector<256x1024xf32>
    %dot_general3A_5 = tpu.matmul %get3A_1, %get3A_4, %dot_general3A {dimension_numbers = #tpu.dot_dimension_numbers<[1], [1], [0], [0], [0, 0, 1, 0], [], []>, transpose_lhs_hint = false} : vector<256x1024xf32>, vector<1024x1024xf32>, vector<256x1024xf32> -> vector<256x1024xf32>
    %convert_element_type3A = arith.truncf %dot_general3A_5 : vector<256x1024xf32> to vector<256x1024xbf16>
    %swap3A = arith.constant 0 : index
    %swap3A_6 = arith.constant 0 : index
    %swap3A_7 = vector.load %arg3[%swap3A, %swap3A_6] : memref<256x1024xbf16, #tpu.memory_space<vmem>>, vector<256x1024xbf16>
    tpu.vector_store %arg3[%swap3A, %swap3A_6], %convert_element_type3A {strides = array<i32>} : memref<256x1024xbf16, #tpu.memory_space<vmem>>, vector<256x1024xbf16>,
    return
  }
  func.func @transform_0(%arg0: i32) -> (i32, i32) {
    %c0_i32 = arith.constant 0 : i32
    %c0_i32_0 = arith.constant 0 : i32
    %c0_i32_1 = arith.constant 0 : i32
    return %c0_i32, %c0_i32_0 : i32, i32
  }
  func.func @transform_1(%arg0: i32) -> (i32, i32) {
    %c0_i32 = arith.constant 0 : i32
    %c0_i32_0 = arith.constant 0 : i32
    return %c0_i32, %arg0 : i32, i32
  }
  func.func @transform_2(%arg0: i32) -> (i32, i32) {
    %c0_i32 = arith.constant 0 : i32
    %c0_i32_0 = arith.constant 0 : i32
    return %arg0, %c0_i32 : i32, i32
  }
}

</mosaic_0001>

<sc_bundles>
// kernel: kernel.4.cloned.1.call-start
scs
__scs_entry_jumppad:
0x0: {  	(pc) =	sbr.rel $0x88, $3  }
0x1: {  	(tag) =	ssettag $0x0;
	lr =	simm.s32 $0x1  }
0x2: {  	[smem:$0x3F9D] =	sst lr;
	_ =	strace $0xD0000000  }
0x3: {  	_ = 	snop  }
0x4: {  	_ = 	snop  }
0x5: {  	_ = 	snop  }
0x6: {  	_ = 	snop  }
0x7: {  	_ = 	snop  }
__scs_overlays_trampoline_lowered:
0x8: {  	[smem:$0x3FAC] =	sst s0  }
0x9: {  	[smem:$0x3FAD] =	sst s1  }
0xa: {  	[smem:$0x3FAE] =	sst s2  }
0xb: {  	[smem:$0x3FAF] =	sst s3  }
0xc: {  	[smem:$0x3FB0] =	sst s4  }
0xd: {  	[smem:$0x3FB1] =	sst s5  }
0xe: {  	[smem:$0x3FB2] =	sst s6  }
0xf: {  	[smem:$0x3FB3] =	sst s7  }
0x10: {  	[smem:$0x3FB4] =	sst s8  }
0x11: {  	[smem:$0x3FB5] =	sst s9;
	s0 =	simm.s32 @!p0 $0x0  }
0x12: {  	s1 =	sld [smem:$0x3F9B];
	s0 =	simm.s32 @p0 $0x1  }
0x13: {  	[smem:$0x3FB6] =	sst s0;
	s0 =	simm.s32 @!p1 $0x0  }
0x14: {  	s2 =	sld [smem:$0x3F9A];
	s0 =	simm.s32 @p1 $0x1  }
0x15: {  	[smem:$0x3FB7] =	sst s0;
	s0 =	simm.s32 @!p2 $0x0  }
0x16: {  	s3 =	sld [smem:$0x3FDB];
	s0 =	simm.s32 @p2 $0x1  }
0x17: {  	s4 =	simm.s32 $0x1BF5;
	[smem:$0x3FB9] =	sst s0  }
0x18: {  	s0 =	sld [smem:$0x3F9C];
	_ =	swait.ge [sflag:s4], $0x0  }
0x19: {  	s7 =	sld [smem:$0x3F9D]  }
0x1a: {  	s8 =	sadd.s32 $0xFFFFE003, lr  }
0x1b: {  	s9 =	sadd.s32 $0xFFFFFEF7, lr;
	s5 =	simm.s32 $0xFFFFFFFF;
	p2 =	slt.u32 s8, $0xFFFFF086  }
0x1c: {  	p1 =	slt.u32 s9, $0xF7A;
	s5 =	simm.s32 @!p2 $0x0  }
0x1d: {  	s5 =	simm.s32 @p1 $0x1;
	p0 =	seq.s32 s7, s2  }
0x1e: {  	s7 =	smul.u32 @!p0 $0xF7A, s2;
	p2 =	seq.s32 @!p0 s5, $0x0  }
0x1f: {  	s9 =	smul.u32 $0xF7A, s1;
	s8 =	simm.s32 @!p0 $0x1BF5;
	p2 =	por !p2, p0  }
0x20: {  	[sflag:s8] =	ssyncset.s32 @!p0 $0xFFFFF086;
	s6 =	sadd.s32 @!p0 s3, s7;
	s7 =	simm.s32 @!p0 $0x108  }
0x21: {  	s3 =	sadd.s32 s3, s9;
	s6 =	sadd.s32 @!p0 $0x88, s6;
	s7 =	simm.s32 @p2 $0x1082  }
0x22: {  	[simem:s7], [sflag:s8] =	dma.local @!p0 [hbm:s6], $0xF7A  }
0x23: {  	s9 =	sor.u32 $0xD0000000, s2;
	s6 =	simm.s32 $0x108;
	_ =	swait.ge @!p0 [sflag:s8], $0x0  }
0x24: {  	s3 =	sadd.s32 $0x88, s3;
	s6 =	simm.s32 @!p1 $0x1082;
	[sflag:s4] =	ssyncset.s32 $0xFFFFF086  }
0x25: {  	[simem:s6], [sflag:s4] =	dma.local [hbm:s3], $0xF7A  }
0x26: {  	[smem:$0x3F9D] =	sst s1;
	(tag) =	ssettag s2;
	_ =	strace s9  }
0x27: {  	s1 =	sld [smem:$0x3FAD]  }
0x28: {  	s2 =	sld [smem:$0x3FAE]  }
0x29: {  	s4 =	sld [smem:$0x3FB0]  }
0x2a: {  	p0 =	seq.s32 s5, $0x0;
	s5 =	sld [smem:$0x3FB1]  }
0x2b: {  	s6 =	sld [smem:$0x3FB2]  }
0x2c: {  	s7 =	sld [smem:$0x3FB3]  }
0x2d: {  	s3 =	simm.s32 $0x108;
	s8 =	sld [smem:$0x3FB4]  }
0x2e: {  	s3 =	simm.s32 @!p0 $0x1082;
	s9 =	sld [smem:$0x3FB5]  }
0x2f: {  	lr =	sadd.s32 s0, s3;
	s0 =	sld [smem:$0x3FAC]  }
0x30: {  	s3 =	sld [smem:$0x3FAF]  }
0x31: {  	[smem:$0x3FB8] =	sst s10  }
0x32: {  	s10 =	sld [smem:$0x3FB6];
	_ =	sdelay $0x3  }
0x33: {  	p0 =	seq.s32 s10, $0x1;
	s10 =	sld [smem:$0x3FB8];
	_ =	sdelay $0x3  }
0x34: {  	[smem:$0x3FB8] =	sst s10  }
0x35: {  	s10 =	sld [smem:$0x3FB7];
	_ =	sdelay $0x3  }
0x36: {  	p1 =	seq.s32 s10, $0x1;
	s10 =	sld [smem:$0x3FB8];
	_ =	sdelay $0x3  }
0x37: {  	[smem:$0x3FB8] =	sst s10  }
0x38: {  	s10 =	sld [smem:$0x3FB9]  }
0x39: {  	_ = 	snop;
	(pc) =	sbr.ind lr, $3  }
0x3a: {  	_ = 	snop  }
0x3b: {  	_ = 	snop  }
0x3c: {  	p2 =	seq.s32 s10, $0x1;
	s10 =	sld [smem:$0x3FB8]  }
0x3d: {  	_ =	shalt  }
0x3e: {  	_ =	shalt  }
0x3f: {  	_ =	shalt  }
0x40: {  	_ =	shalt  }
0x41: {  	_ =	shalt  }
0x42: {  	_ =	shalt  }
0x43: {  	_ =	shalt  }
0x44: {  	_ =	shalt  }
0x45: {  	_ =	shalt  }
0x46: {  	_ =	shalt  }
0x47: {  	_ =	shalt  }
0x48: {  	_ =	shalt  }
0x49: {  	_ =	shalt  }
0x4a: {  	_ =	shalt  }
0x4b: {  	_ =	shalt  }
0x4c: {  	_ =	shalt  }
0x4d: {  	_ =	shalt  }
0x4e: {  	_ =	shalt  }
0x4f: {  	_ =	shalt  }
0x50: {  	_ =	shalt  }
0x51: {  	_ =	shalt  }
0x52: {  	_ =	shalt  }
0x53: {  	_ =	shalt  }
0x54: {  	_ =	shalt  }
0x55: {  	_ =	shalt  }
0x56: {  	_ =	shalt  }
0x57: {  	_ =	shalt  }
0x58: {  	_ =	shalt  }
0x59: {  	_ =	shalt  }
0x5a: {  	_ =	shalt  }
0x5b: {  	_ =	shalt  }
0x5c: {  	_ =	shalt  }
0x5d: {  	_ =	shalt  }
0x5e: {  	_ =	shalt  }
0x5f: {  	_ =	shalt  }
0x60: {  	_ =	shalt  }
0x61: {  	_ =	shalt  }
0x62: {  	_ =	shalt  }
0x63: {  	_ =	shalt  }
0x64: {  	_ =	shalt  }
0x65: {  	_ =	shalt  }
0x66: {  	_ =	shalt  }
0x67: {  	_ =	shalt  }
0x68: {  	_ =	shalt  }
0x69: {  	_ =	shalt  }
0x6a: {  	_ =	shalt  }
0x6b: {  	_ =	shalt  }
0x6c: {  	_ =	shalt  }
0x6d: {  	_ =	shalt  }
0x6e: {  	_ =	shalt  }
0x6f: {  	_ =	shalt  }
0x70: {  	_ =	shalt  }
0x71: {  	_ =	shalt  }
0x72: {  	_ =	shalt  }
0x73: {  	_ =	shalt  }
0x74: {  	_ =	shalt  }
0x75: {  	_ =	shalt  }
0x76: {  	_ =	shalt  }
0x77: {  	_ =	shalt  }
0x78: {  	_ =	shalt  }
0x79: {  	_ =	shalt  }
0x7a: {  	_ =	shalt  }
0x7b: {  	_ =	shalt  }
0x7c: {  	_ =	shalt  }
0x7d: {  	_ =	shalt  }
0x7e: {  	_ =	shalt  }
0x7f: {  	_ =	shalt  }
0x80: {  	_ =	shalt  }
0x81: {  	_ =	shalt  }
0x82: {  	_ =	shalt  }
0x83: {  	_ =	shalt  }
0x84: {  	_ =	shalt  }
0x85: {  	_ =	shalt  }
0x86: {  	_ =	shalt  }
0x87: {  	_ =	shalt  }
.Lfunc_end0:
.L_simem_size_0:
called_computation_lowered:
.L_overlay_start_0:
0x88: {  	s2 =	sld [smem:$0x3FD9]  }
0x89: {  	s3 =	sld [smem:$0x3FFE];
	_ =	sdelay $0x1  }
0x8a: {  	s1 =	srdreg.scid  }
0x8b: {  	s0 =	sand.u32 $0x1, s1  }
0x8c: {  	s17 =	sshll.u32 s0, $0xA;
	s2 =	sadd.s32 s3, s2  }
0x8d: {  	s2 =	sadd.s32 s2, s17  }
0x8e: {  	[smem:$0x3FC4] =	sst s2  }
0x8f: {  	_ = 	snop  }
0x90: {  	s2 =	sld [smem:$0x3FD0];
	(tm) =	ssettm $0x1  }
0x91: {  	s18 =	sld [smem:$0x3FFB];
	_ =	sdelay $0x3  }
0x92: {  	_ =	strace s18  }
0x93: {  	s3 =	sld [smem:$0x3FFC];
	_ =	sdelay $0x3  }
0x94: {  	_ =	strace s3  }
0x95: {  	s3 =	sld [smem:$0x3FFD];
	_ =	sdelay $0x3  }
0x96: {  	_ =	strace s3  }
0x97: {  	_ =	strace $0x8FFFFFFF  }
0x98: {  	s19 =	sld [smem:$0x3FDB];
	_ =	sdelay $0x1  }
0x99: {  	s4 =	simm.s32 $_scs_section_size  }
0x9a: {  	s5 =	simm.s32 $_size__tile_overlayer_lowered;
	s6 =	simm.s32 $_tile_overlayer_lowered  }
0x9b: {  	s22 =	simm.s32 $0x1BFF;
	s21 =	sshll.u32 s6, $0x1;
	s3 =	sadd.s32 s4, s19  }
0x9c: {  	s7 =	simm.s32 $0x0;
	s20 =	sshll.u32 s5, $0x1;
	s5 =	sadd.s32 s21, s3  }
0x9d: {  	[timem:s7], [sflag:s22] =	dma.local [hbm:s5], s20  }
0x9e: {  	_ =	swait.ge [sflag:s22], s20  }
0x9f: {  	s4 =	ssub.s32 $0x0, s20;
	[sflag:s22] =	ssyncset.done $0x0  }
0xa0: {  	[sflag:s22] =	ssyncadd.s32 s4;
	_ =	sdelay $0x1  }
0xa1: {  	s23 =	simm.s32 $0x1B8B  }
0xa2: {  	_ =	swait.ge [sflag:s23], $0x1  }
0xa3: {  	[sflag:s23] =	ssyncset.done $0x0  }
0xa4: {  	s25 =	simm.s32 $0x1B8E;
	s24 =	sld [smem:$0x3FFE];
	[sflag:s23] =	ssyncadd.s32 $0xFFFFFFFF  }
0xa5: {  	s26 =	simm.s32 $execute0_lowered;
	[smem:$0x3FD2] =	sst s25  }
0xa6: {  	s5 =	sshll.u32 s26, $0x1;
	_ =	strace $0x80000046;
	[dreg:$0x1] =	wrdreg $0xFFFFFFFF  }
0xa7: {  	s28 =	simm.s32 $_size_execute0_lowered;
	s3 =	sadd.s32 s3, s5;
	[dreg:$0x0] =	wrdreg $0x0  }
0xa8: {  	s5 =	sshll.u32 s28, $0x1;
	[dreg:$0x2] =	wrdreg s3  }
0xa9: {  	[dreg:$0x3] =	wrdreg s5  }
0xaa: {  	[dreg:$0x4] =	wrdreg $0xC0  }
0xab: {  	_ =	task [dreg:s7], $0x5FFFF  }
0xac: {  	[dreg:$0x1] =	wrdreg $0xFFFFFFFF  }
0xad: {  	[dreg:$0x0] =	wrdreg $0x60  }
0xae: {  	[dreg:$0x2] =	wrdreg s2  }
0xaf: {  	[dreg:$0x3] =	wrdreg s24  }
0xb0: {  	[dreg:$0x4] =	wrdreg $0x9  }
0xb1: {  	_ =	task.clear_ibuf [dreg:s7], $0x5FFFF;
	_ =	strace $0x90000046  }
0xb2: {  	s29 =	simm.s32 $0x9;
	_ =	strace $0x80000048  }
0xb3: {  	_ =	swait.ge [sflag:s29], $0x1  }
0xb4: {  	[sflag:s29] =	ssyncadd.s32 $0xFFFFFFFF  }
0xb5: {  	_ =	strace $0x90000048  }
0xb6: {  	_ =	sfence  }
0xb7: {  	s30 =	sld [smem:$0x0];
	_ =	sdelay $0x2  }
0xb8: {  	s31 =	sshll.u32 s1, $0xD;
	s1 =	sshrl.u32 s1, $0x2  }
0xb9: {  	s3 =	sand.u32 $0x4000, s31;
	s1 =	sadd.s32 s1, s30  }
0xba: {  	s0 =	sor.u32 s3, s0;
	s1 =	sshll.u32 s1, $0x11  }
0xbb: {  	s0 =	sor.u32 s1, s0  }
0xbc: {  	s0 =	sadd.s32 $0x8F2B, s0  }
0xbd: {  	[sflag:s0] =	ssyncadd.remote.s32 $0x1  }
0xbe: {  	_ =	sfence.sel $0xFFFF  }
0xbf: {  	[dreg:$0x0] =	wrdreg $0xFFFFFFFF;
	(pc) =	sbr.abs _section_cstart, $3  }
0xc0: {  	[dreg:$0x1] =	wrdreg $0xFFFFFFFF  }
0xc1: {  	_ =	task.clear_ibuf [dreg:s7], $0x2FFFF;
	_ =	strace $0x9FFFFFFF  }
0xc2: {  	(tm) =	ssettm $0x7FFFFFFF  }
0xc3: {  	_ =	shalt  }
tec
execute0_lowered:
.L_overlay_start_1:
0x0: {  	(tag) =	ssettag $0x1  }
0x1: {  	s2 =	rddreg [dreg:$0x0]  }
0x2: {  	s0 =	srdreg.scid;
	s1 =	stileid.u32  }
0x3: {  	s5 =	rddreg [dreg:$0x1];
	s4 =	simm.s32 $0x0;
	s25 =	simm.s32 $0x1  }
0x4: {  	s31 =	simm.s32 $0xAC00;
	s10 =	simm.s32 $0xC400;
	s11 =	simm.s32 $0xCC00  }
0x5: {  	s12 =	simm.s32 $0xD400;
	s13 =	simm.s32 $0xDC00;
	s14 =	simm.s32 $0xE400  }
0x6: {  	s15 =	simm.s32 $0xEC00;
	s16 =	simm.s32 $0xF400;
	s17 =	simm.s32 $0xFC00  }
0x7: {  	s18 =	simm.s32 $0x2;
	s19 =	simm.s32 $0x11C00;
	s21 =	simm.s32 $0x4  }
0x8: {  	s0 =	sand.u32 $0x1, s0;
	s1 =	sshll.u32 s1, $0x1;
	[smem:$0x7FF] =	sst s4  }
0x9: {  	s6 =	sadd.s32 $0x100, s2;
	s1 =	sor.u32 s0, s1;
	s0 =	ssub.s32 $0x2, s0  }
0xa: {  	s3 =	smul.u32 $0x1C0, s1;
	s1 =	sshll.u32 s1, $0x10;
	s30 =	sshrl.u32 s0, $0x1  }
0xb: {  	_ =	strace $0x80000047;
	s1 =	sadd.s32 s1, s5;
	s0 =	ssub.s32 s0, s30  }
0xc: {  	v0 =	vlaneseq.u32;
	s3 =	sadd.s32 s3, s5;
	s7 =	sadd.s32 $0x3A00, s1;
	s0 =	smax.u32 s0, $0x1  }
0xd: {  	vm0 =	vmmov $0xffff;
	v2 =	vshrl.u32 v0, $0x3;
	s1 =	simm.s32 $0xB400;
	s3 =	sadd.s32 $0x200, s3;
	[dreg:$0x4] =	wrdreg s0  }
0xe: {  	v1 =	vand.u32 $0x7, v0;
	v3 =	vor.u32 $0x8, v0;
	v2 =	vmul.u32 $0x8, v2;
	s5 =	simm.s32 $0x0;
	s0 =	simm.s32 $0xBC00;
	[dreg:$0x3] =	wrdreg s3  }
.LBB2_1:
0xf: {  	[dreg:$0x5] =	wrdreg s5  }
0x10: {  	s3 =	rddreg [dreg:$0x3];
	s29 =	simm.s32 $0x5  }
0x11: {  	[tilespmem:s4], [sflag:$0x5] =	stream.linear.gather [hbm4b:s3+s4], $0xE00, $0x38;
	[tilespmem:$0x14200] =	vst v63  }
0x12: {  	_ =	swait.ge [sflag:s29], $0xE00  }
0x13: {  	[sflag:s29] =	ssyncset.done $0x0  }
0x14: {  	[sflag:s29] =	ssyncadd.s32 $0xFFFFF200  }
0x15: {  	s8 =	simm.s32 $0x13C00;
	s30 =	rddreg [dreg:$0x1]  }
0x16: {  	[tilespmem:s8], [sflag:$0x5] =	stream.linear.gather [hbm4b:s30+s4], $0x200, $0x38;
	[tilespmem:$0x14200] =	vst v63  }
0x17: {  	_ =	swait.ge [sflag:s29], $0x200  }
0x18: {  	[sflag:s29] =	ssyncset.done $0x0  }
0x19: {  	[sflag:s29] =	ssyncadd.s32 $0xFFFFFE00  }
0x1a: {  	v4 =	vld [tilespmem:s4+$0x0];
	_ =	sdelay $0x2  }
0x1b: {  	v5 =	vor.u32 s4, v0  }
0x1c: {  	v6 =	vmulhi.u32 $0x24924925, v5  }
0x1d: {  	v4 =	vmax.f32 v4, $-1.000000000e+00  }
0x1e: {  	v7 =	vsub.s32 v5, v6;
	v4 =	vmin.f32 v4, $1.000000000e+00  }
0x1f: {  	v7 =	vshrl.u32 v7, $0x1;
	v4 =	vadd.f32 $1.000000000e+00, v4  }
0x20: {  	v6 =	vadd.s32 v6, v7  }
0x21: {  	v6 =	vshrl.u32 v6, $0x2;
	v4 =	vmul.f32 $1.275000000e+02, v4  }
0x22: {  	v6 =	vmul.u32 $0x7, v6  }
0x23: {  	v4 =	vtrunc.f32 v4  }
0x24: {  	v5 =	vsub.s32 v5, v6;
	v4 =	vcvt.f32.s32 v4  }
0x25: {  	v5 =	vshll.u32 v5, $0x8  }
0x26: {  	s3 =	simm.s32 $0xE00;
	v4 =	vadd.s32 v4, v5  }
0x27: {  	s5 =	simm.s32 $0x10;
	[tilespmem:s3+$0x0] =	vst v4  }
0x28: {  	s9 =	simm.s32 $0x10;
	s8 =	simm.s32 $0x20;
	v4 =	vld [tilespmem:s5+$0x0]  }
.LBB2_2:
0x29: {  	p0 =	sne.s32 s8, $0xDF0;
	_ =	sdelay $0x1  }
0x2a: {  	v5 =	vor.u32 s5, v0;
	s5 =	smov.u32 s8  }
0x2b: {  	v6 =	vmulhi.u32 $0x24924925, v5  }
0x2c: {  	v4 =	vmax.f32 v4, $-1.000000000e+00  }
0x2d: {  	v7 =	vsub.s32 v5, v6;
	v4 =	vmin.f32 v4, $1.000000000e+00  }
0x2e: {  	v7 =	vshrl.u32 v7, $0x1;
	v4 =	vadd.f32 $1.000000000e+00, v4  }
0x2f: {  	v6 =	vadd.s32 v6, v7  }
0x30: {  	v6 =	vshrl.u32 v6, $0x2;
	v4 =	vmul.f32 $1.275000000e+02, v4  }
0x31: {  	v6 =	vmul.u32 $0x7, v6  }
0x32: {  	v4 =	vtrunc.f32 v4  }
.Ltmp0:
0x33: {  	v5 =	vsub.s32 v5, v6;
	v4 =	vcvt.f32.s32 v4;
	(pc) =	sbr.rel @p0 .LBB2_2-.Ltmp0, $4  }
0x34: {  	v5 =	vshll.u32 v5, $0x8  }
0x35: {  	s3 =	sadd.s32 $0x10, s3;
	v4 =	vadd.s32 v4, v5  }
0x36: {  	s9 =	sadd.s32 $0x10, s9;
	[tilespmem:s3+$0x0] =	vst v4  }
0x37: {  	s8 =	sadd.s32 $0x10, s8;
	v4 =	vld [tilespmem:s9+$0x0]  }
0x38: {  	_ =	sdelay $0x1  }
0x39: {  	v5 =	vor.u32 s5, v0  }
0x3a: {  	v6 =	vmulhi.u32 $0x24924925, v5  }
0x3b: {  	v4 =	vmax.f32 v4, $-1.000000000e+00  }
0x3c: {  	v7 =	vsub.s32 v5, v6;
	v4 =	vmin.f32 v4, $1.000000000e+00  }
0x3d: {  	v7 =	vshrl.u32 v7, $0x1;
	v4 =	vadd.f32 $1.000000000e+00, v4  }
0x3e: {  	v6 =	vadd.s32 v6, v7  }
0x3f: {  	v6 =	vshrl.u32 v6, $0x2;
	v4 =	vmul.f32 $1.275000000e+02, v4  }
0x40: {  	v6 =	vmul.u32 $0x7, v6  }
0x41: {  	v4 =	vtrunc.f32 v4  }
0x42: {  	v5 =	vsub.s32 v5, v6;
	v4 =	vcvt.f32.s32 v4  }
0x43: {  	v5 =	vshll.u32 v5, $0x8  }
0x44: {  	s3 =	sadd.s32 $0x10, s3;
	v4 =	vadd.s32 v4, v5  }
0x45: {  	s29 =	simm.s32 $0x13C00;
	[tilespmem:s3+$0x0] =	vst v4  }
0x46: {  	v4 =	vld [tilespmem:s29+$0x0];
	_ =	sdelay $0x4  }
0x47: {  	s30 =	simm.s32 $0x0;
	s3 =	simm.s32 $0x13E00;
	v5 =	vshll.u32 v4, $0x10  }
0x48: {  	s5 =	sand.u32 $0x1F0, s30;
	[tilespmem:s3+$0x0] =	vst v5  }
0x49: {  	s8 =	simm.s32 $0x13C10;
	[tilespmem:s5+$0x14000] =	vst v4  }
0x4a: {  	v4 =	vld [tilespmem:s8+$0x0]  }
0x4b: {  	s9 =	simm.s32 $0x20;
	s5 =	simm.s32 $0x10  }
.LBB2_4:
0x4c: {  	p0 =	sne.s32 s9, $0x1F0;
	_ =	sdelay $0x2  }
.Ltmp1:
0x4d: {  	s3 =	sadd.s32 $0x10, s3;
	v5 =	vshll.u32 v4, $0x10;
	(pc) =	sbr.rel @p0 .LBB2_4-.Ltmp1, $4  }
0x4e: {  	s20 =	sand.u32 $0x1F0, s5;
	s5 =	smov.u32 s9;
	[tilespmem:s3+$0x0] =	vst v5  }
0x4f: {  	s8 =	sadd.s32 $0x10, s8;
	[tilespmem:s20+$0x14000] =	vst v4  }
0x50: {  	v4 =	vld [tilespmem:s8+$0x0]  }
0x51: {  	s9 =	sadd.s32 $0x10, s9  }
0x52: {  	_ =	sdelay $0x2  }
0x53: {  	s3 =	sadd.s32 $0x10, s3;
	v5 =	vshll.u32 v4, $0x10  }
0x54: {  	s24 =	sand.u32 $0x1F0, s5;
	[tilespmem:s3+$0x0] =	vst v5  }
0x55: {  	[tilespmem:s24+$0x14000] =	vst v4  }
0x56: {  	v4 =	vld [tilespmem:$0xE00];
	_ =	sdelay $0x4  }
0x57: {  	v5 =	vshll.u32 v4, $0x2  }
0x58: {  	v4 =	vand.u32 $0x7, v4;
	v5 =	vand.u32 $0xFFFFFFE0, v5  }
0x59: {  	v4 =	vor.u32 v4, v5  }
0x5a: {  	v5 =	vperm.xlane v4, v1;
	_ =	sdelay $0x1  }
0x5b: {  	v5 =	vadd.s32 v2, v5;
	_ =	sdelay $0x1  }
0x5c: {  	v4 =	vperm.xlane v4, v3;
	_ =	sdelay $0x1  }
0x5d: {  	s23 =	simm.s32 $0x0;
	s26 =	simm.s32 $0x1C00;
	v4 =	vadd.s32 v2, v4  }
0x5e: {  	[tilespmem:s26], [sflag:$0x1] =	stream.indirect_vreg.gather [hbm4b:s2+s23], $0x80, v5, vm0, $0xb8;
	[tilespmem:$0x14200] =	vst v63  }
0x5f: {  	s28 =	simm.s32 $0x2400  }
0x60: {  	[tilespmem:s28], [sflag:$0x1] =	stream.indirect_vreg.gather [hbm4b:s6+s23], $0x80, v5, vm0, $0xb8;
	[tilespmem:$0x14200] =	vst v63  }
0x61: {  	s29 =	simm.s32 $0x2C00  }
0x62: {  	[tilespmem:s29], [sflag:$0x1] =	stream.indirect_vreg.gather [hbm4b:s2+s23], $0x80, v4, vm0, $0xb8;
	[tilespmem:$0x14200] =	vst v63  }
0x63: {  	s30 =	simm.s32 $0x3400  }
0x64: {  	[tilespmem:s30], [sflag:$0x1] =	stream.indirect_vreg.gather [hbm4b:s6+s23], $0x80, v4, vm0, $0xb8;
	[tilespmem:$0x14200] =	vst v63  }
0x65: {  	v4 =	vld [tilespmem:$0xE10];
	_ =	sdelay $0x4  }
0x66: {  	v5 =	vshll.u32 v4, $0x2  }
0x67: {  	v4 =	vand.u32 $0x7, v4;
	v5 =	vand.u32 $0xFFFFFFE0, v5  }
0x68: {  	v4 =	vor.u32 v4, v5  }
0x69: {  	v5 =	vperm.xlane v4, v1;
	_ =	sdelay $0x1  }
0x6a: {  	v5 =	vadd.s32 v2, v5;
	_ =	sdelay $0x1  }
0x6b: {  	v4 =	vperm.xlane v4, v3;
	_ =	sdelay $0x1  }
0x6c: {  	s5 =	simm.s32 $0x3C00;
	v4 =	vadd.s32 v2, v4  }
0x6d: {  	[tilespmem:s5], [sflag:$0x1] =	stream.indirect_vreg.gather [hbm4b:s2+s23], $0x80, v5, vm0, $0xb8;
	[tilespmem:$0x14200] =	vst v63  }
0x6e: {  	s8 =	simm.s32 $0x4400  }
0x6f: {  	[tilespmem:s8], [sflag:$0x1] =	stream.indirect_vreg.gather [hbm4b:s6+s23], $0x80, v5, vm0, $0xb8;
	[tilespmem:$0x14200] =	vst v63  }
0x70: {  	s9 =	simm.s32 $0x4C00  }
0x71: {  	[tilespmem:s9], [sflag:$0x1] =	stream.indirect_vreg.gather [hbm4b:s2+s23], $0x80, v4, vm0, $0xb8;
	[tilespmem:$0x14200] =	vst v63  }
0x72: {  	s20 =	simm.s32 $0x5400  }
0x73: {  	[tilespmem:s20], [sflag:$0x1] =	stream.indirect_vreg.gather [hbm4b:s6+s23], $0x80, v4, vm0, $0xb8;
	[tilespmem:$0x14200] =	vst v63  }
0x74: {  	v4 =	vld [tilespmem:$0xE20];
	_ =	sdelay $0x4  }
0x75: {  	v5 =	vshll.u32 v4, $0x2  }
0x76: {  	v4 =	vand.u32 $0x7, v4;
	v5 =	vand.u32 $0xFFFFFFE0, v5  }
0x77: {  	v4 =	vor.u32 v4, v5  }
0x78: {  	v5 =	vperm.xlane v4, v1;
	_ =	sdelay $0x1  }
0x79: {  	v5 =	vadd.s32 v2, v5;
	_ =	sdelay $0x1  }
0x7a: {  	v4 =	vperm.xlane v4, v3;
	_ =	sdelay $0x1  }
0x7b: {  	s22 =	simm.s32 $0x5C00;
	v4 =	vadd.s32 v2, v4  }
0x7c: {  	[tilespmem:s22], [sflag:$0x1] =	stream.indirect_vreg.gather [hbm4b:s2+s23], $0x80, v5, vm0, $0xb8;
	[tilespmem:$0x14200] =	vst v63  }
0x7d: {  	s24 =	simm.s32 $0x6400  }
0x7e: {  	[tilespmem:s24], [sflag:$0x1] =	stream.indirect_vreg.gather [hbm4b:s6+s23], $0x80, v5, vm0, $0xb8;
	[tilespmem:$0x14200] =	vst v63  }
0x7f: {  	s26 =	simm.s32 $0x6C00  }
0x80: {  	[tilespmem:s26], [sflag:$0x1] =	stream.indirect_vreg.gather [hbm4b:s2+s23], $0x80, v4, vm0, $0xb8;
	[tilespmem:$0x14200] =	vst v63  }
0x81: {  	s28 =	simm.s32 $0x7400  }
0x82: {  	[tilespmem:s28], [sflag:$0x1] =	stream.indirect_vreg.gather [hbm4b:s6+s23], $0x80, v4, vm0, $0xb8;
	[tilespmem:$0x14200] =	vst v63  }
0x83: {  	v4 =	vld.msk [tilespmem:$0xE30], $0xff;
	_ =	sdelay $0x4  }
0x84: {  	v5 =	vshll.u32 v4, $0x2  }
0x85: {  	v4 =	vand.u32 $0x7, v4;
	v5 =	vand.u32 $0xFFFFFFE0, v5  }
0x86: {  	v4 =	vor.u32 v4, v5  }
0x87: {  	v4 =	vperm.xlane v4, v1;
	_ =	sdelay $0x1  }
0x88: {  	v4 =	vadd.s32 v2, v4;
	_ =	sdelay $0x3  }
0x89: {  	s29 =	simm.s32 $0x7C00  }
0x8a: {  	[tilespmem:s29], [sflag:$0x1] =	stream.indirect_vreg.gather [hbm4b:s2+s23], $0x80, v4, vm0, $0xb8;
	[tilespmem:$0x14200] =	vst v63  }
0x8b: {  	s30 =	simm.s32 $0x8400  }
0x8c: {  	[tilespmem:s30], [sflag:$0x1] =	stream.indirect_vreg.gather [hbm4b:s6+s23], $0x80, v4, vm0, $0xb8;
	[tilespmem:$0x14200] =	vst v63  }
.LBB2_6:
0x8d: {  	s24 =	sshllo.u32 s23, $0x1  }
0x8e: {  	_ =	swait.ge [sflag:s25], $0x7000;
	s3 =	smul.u32 $0xE0, s24  }
0x8f: {  	[sflag:s25] =	ssyncset.done $0x0  }
0x90: {  	[sflag:s25] =	ssyncadd.s32 $0xFFFF9000;
	s3 =	sshra.s32 s3, $0x2  }
0x91: {  	v4 =	vld [tilespmem:s3+$0xE00];
	_ =	sdelay $0x4  }
0x92: {  	v5 =	vshll.u32 v4, $0x2  }
0x93: {  	v4 =	vand.u32 $0x7, v4;
	v5 =	vand.u32 $0xFFFFFFE0, v5  }
0x94: {  	v4 =	vor.u32 v4, v5  }
0x95: {  	v5 =	vperm.xlane v4, v1;
	_ =	sdelay $0x1  }
0x96: {  	v5 =	vadd.s32 v2, v5;
	_ =	sdelay $0x1  }
0x97: {  	v4 =	vperm.xlane v4, v3;
	_ =	sdelay $0x1  }
0x98: {  	s5 =	simm.s32 $0x8C00;
	v4 =	vadd.s32 v2, v4  }
0x99: {  	[tilespmem:s5], [sflag:$0x2] =	stream.indirect_vreg.gather [hbm4b:s2+s4], $0x80, v5, vm0, $0xb8;
	[tilespmem:$0x14200] =	vst v63  }
0x9a: {  	s28 =	simm.s32 $0x9400  }
0x9b: {  	[tilespmem:s28], [sflag:$0x2] =	stream.indirect_vreg.gather [hbm4b:s6+s4], $0x80, v5, vm0, $0xb8;
	[tilespmem:$0x14200] =	vst v63  }
0x9c: {  	s29 =	simm.s32 $0x9C00  }
0x9d: {  	[tilespmem:s29], [sflag:$0x2] =	stream.indirect_vreg.gather [hbm4b:s2+s4], $0x80, v4, vm0, $0xb8;
	[tilespmem:$0x14200] =	vst v63  }
0x9e: {  	s30 =	simm.s32 $0xA400  }
0x9f: {  	[tilespmem:s30], [sflag:$0x2] =	stream.indirect_vreg.gather [hbm4b:s6+s4], $0x80, v4, vm0, $0xb8;
	[tilespmem:$0x14200] =	vst v63  }
0xa0: {  	v4 =	vld [tilespmem:s3+$0xE10];
	_ =	sdelay $0x4  }
0xa1: {  	v5 =	vshll.u32 v4, $0x2  }
0xa2: {  	v4 =	vand.u32 $0x7, v4;
	v5 =	vand.u32 $0xFFFFFFE0, v5  }
0xa3: {  	v4 =	vor.u32 v4, v5  }
0xa4: {  	v5 =	vperm.xlane v4, v1;
	_ =	sdelay $0x1  }
0xa5: {  	v5 =	vadd.s32 v2, v5;
	_ =	sdelay $0x1  }
0xa6: {  	v4 =	vperm.xlane v4, v3;
	_ =	sdelay $0x1  }
0xa7: {  	v4 =	vadd.s32 v2, v4  }
0xa8: {  	[tilespmem:s31], [sflag:$0x2] =	stream.indirect_vreg.gather [hbm4b:s2+s4], $0x80, v5, vm0, $0xb8;
	[tilespmem:$0x14200] =	vst v63  }
0xa9: {  	_ = 	snop  }
0xaa: {  	[tilespmem:s1], [sflag:$0x2] =	stream.indirect_vreg.gather [hbm4b:s6+s4], $0x80, v5, vm0, $0xb8;
	[tilespmem:$0x14200] =	vst v63  }
0xab: {  	_ = 	snop  }
0xac: {  	[tilespmem:s0], [sflag:$0x2] =	stream.indirect_vreg.gather [hbm4b:s2+s4], $0x80, v4, vm0, $0xb8;
	[tilespmem:$0x14200] =	vst v63  }
0xad: {  	_ = 	snop  }
0xae: {  	[tilespmem:s10], [sflag:$0x2] =	stream.indirect_vreg.gather [hbm4b:s6+s4], $0x80, v4, vm0, $0xb8;
	[tilespmem:$0x14200] =	vst v63  }
0xaf: {  	v4 =	vld [tilespmem:s3+$0xE20];
	_ =	sdelay $0x4  }
0xb0: {  	v5 =	vshll.u32 v4, $0x2  }
0xb1: {  	v4 =	vand.u32 $0x7, v4;
	v5 =	vand.u32 $0xFFFFFFE0, v5  }
0xb2: {  	v4 =	vor.u32 v4, v5  }
0xb3: {  	v5 =	vperm.xlane v4, v1;
	_ =	sdelay $0x1  }
0xb4: {  	v5 =	vadd.s32 v2, v5;
	_ =	sdelay $0x1  }
0xb5: {  	v4 =	vperm.xlane v4, v3;
	_ =	sdelay $0x1  }
0xb6: {  	v4 =	vadd.s32 v2, v4  }
0xb7: {  	[tilespmem:s11], [sflag:$0x2] =	stream.indirect_vreg.gather [hbm4b:s2+s4], $0x80, v5, vm0, $0xb8;
	[tilespmem:$0x14200] =	vst v63  }
0xb8: {  	_ = 	snop  }
0xb9: {  	[tilespmem:s12], [sflag:$0x2] =	stream.indirect_vreg.gather [hbm4b:s6+s4], $0x80, v5, vm0, $0xb8;
	[tilespmem:$0x14200] =	vst v63  }
0xba: {  	_ = 	snop  }
0xbb: {  	[tilespmem:s13], [sflag:$0x2] =	stream.indirect_vreg.gather [hbm4b:s2+s4], $0x80, v4, vm0, $0xb8;
	[tilespmem:$0x14200] =	vst v63  }
0xbc: {  	_ = 	snop  }
0xbd: {  	[tilespmem:s14], [sflag:$0x2] =	stream.indirect_vreg.gather [hbm4b:s6+s4], $0x80, v4, vm0, $0xb8;
	[tilespmem:$0x14200] =	vst v63  }
0xbe: {  	v4 =	vld.msk [tilespmem:s3+$0xE30], $0xff;
	_ =	sdelay $0x4  }
0xbf: {  	v5 =	vshll.u32 v4, $0x2  }
0xc0: {  	v4 =	vand.u32 $0x7, v4;
	v5 =	vand.u32 $0xFFFFFFE0, v5  }
0xc1: {  	v4 =	vor.u32 v4, v5  }
0xc2: {  	v4 =	vperm.xlane v4, v1;
	_ =	sdelay $0x1  }
0xc3: {  	v4 =	vadd.s32 v2, v4;
	_ =	sdelay $0x3  }
0xc4: {  	p0 =	seq.s32 s23, $0x0  }
0xc5: {  	[tilespmem:s15], [sflag:$0x2] =	stream.indirect_vreg.gather [hbm4b:s2+s4], $0x80, v4, vm0, $0xb8;
	[tilespmem:$0x14200] =	vst v63  }
0xc6: {  	s3 =	simm.s32 @!p0 $0x3  }
0xc7: {  	[tilespmem:s16], [sflag:$0x2] =	stream.indirect_vreg.gather [hbm4b:s6+s4], $0x80, v4, vm0, $0xb8;
	[tilespmem:$0x14200] =	vst v63  }
0xc8: {  	_ =	swait.ge @!p0 [sflag:s3], $0x2000  }
0xc9: {  	[sflag:s3] =	ssyncset.done @!p0 $0x0  }
0xca: {  	s9 =	simm.s32 $0x14000;
	[sflag:s3] =	ssyncadd.s32 @!p0 $0xFFFFE000  }
0xcb: {  	v8 =	vld [tilespmem:s9+$0x30]  }
0xcc: {  	v10 =	vld [tilespmem:s9+$0x0]  }
0xcd: {  	v4 =	vld [tilespmem:s9+$0xFFFFFE10]  }
0xce: {  	v5 =	vld [tilespmem:s9+$0x10]  }
0xcf: {  	v6 =	vld [tilespmem:s9+$0xFFFFFE20]  }
0xd0: {  	s3 =	simm.s32 $0xFE00;
	v7 =	vld [tilespmem:s9+$0xFFFFFE30]  }
0xd1: {  	s8 =	simm.s32 $0x0;
	v9 =	vld [tilespmem:s9+$0x20];
	[tilespmem:s3+$0x30] =	vst v8  }
0xd2: {  	s22 =	simm.s32 $0x14040;
	s5 =	simm.s32 $0x10230;
	v8 =	vld [tilespmem:s9+$0xFFFFFE00];
	[tilespmem:s3+$0x0] =	vst v10;
	s9 =	simm.s32 $0xFE00  }
.LBB2_7:
0xd3: {  	v10 =	vld [tilespmem:s22+$0x30];
	s8 =	sadd.s32 $0x4, s8;
	[tilespmem:s3+$0xFFFFFE10] =	vst v4  }
0xd4: {  	v11 =	vld [tilespmem:s22+$0x0];
	p0 =	slt.u32 s8, $0x1C;
	[tilespmem:s3+$0x10] =	vst v5  }
0xd5: {  	v4 =	vld [tilespmem:s22+$0xFFFFFE10];
	[tilespmem:s3+$0xFFFFFE20] =	vst v6;
	v12 =	vmov v7  }
.Ltmp2:
0xd6: {  	v5 =	vld [tilespmem:s22+$0x10];
	[tilespmem:s3+$0x20] =	vst v9;
	(pc) =	sbr.rel @p0 .LBB2_7-.Ltmp2, $4  }
0xd7: {  	s3 =	sadd.s32 $0x40, s3;
	v6 =	vld [tilespmem:s22+$0xFFFFFE20];
	[tilespmem:s9+$0xFFFFFE00] =	vst v8  }
0xd8: {  	s20 =	simm.s32 $0x13E00;
	s26 =	simm.s32 $0x0;
	v7 =	vld [tilespmem:s22+$0xFFFFFE30];
	[tilespmem:s3+$0x30] =	vst v10  }
0xd9: {  	v9 =	vld [tilespmem:s22+$0x20];
	[tilespmem:s9+$0xFFFFFE30] =	vst v12;
	s9 =	smov.u32 s3  }
0xda: {  	v8 =	vld [tilespmem:s22+$0xFFFFFE00];
	[tilespmem:s3+$0x0] =	vst v11;
	s22 =	sadd.s32 $0x40, s22  }
0xdb: {  	[tilespmem:s3+$0xFFFFFE10] =	vst v4  }
0xdc: {  	[tilespmem:s3+$0x10] =	vst v5  }
0xdd: {  	[tilespmem:s3+$0xFFFFFE20] =	vst v6  }
0xde: {  	[tilespmem:s9+$0xFFFFFE30] =	vst v7  }
0xdf: {  	[tilespmem:s3+$0x20] =	vst v9  }
0xe0: {  	[tilespmem:s9+$0xFFFFFE00] =	vst v8;
	s9 =	sand.u32 $0x1C0, s26  }
0xe1: {  	v4 =	vld [tilespmem:s9+$0x14000]  }
0xe2: {  	v5 =	vld [tilespmem:s20+$0x0]  }
0xe3: {  	s30 =	simm.s32 $0x40;
	v6 =	vld [tilespmem:s20+$0x10]  }
0xe4: {  	s26 =	sand.u32 $0x1C0, s30;
	v7 =	vld [tilespmem:s20+$0x210]  }
0xe5: {  	v9 =	vld [tilespmem:s26+$0x14000]  }
0xe6: {  	v10 =	vld [tilespmem:s20+$0x20];
	[tilespmem:s9+$0x10200] =	vst v4  }
0xe7: {  	[tilespmem:s9+$0x10000] =	vst v5;
	v4 =	vld [tilespmem:s20+$0x220]  }
0xe8: {  	[tilespmem:s5+$0xFFFFFDE0] =	vst v6;
	v5 =	vld [tilespmem:s20+$0x30]  }
0xe9: {  	s22 =	simm.s32 $0x13E40;
	v8 =	vld [tilespmem:s20+$0x230];
	[tilespmem:s5+$0xFFFFFFE0] =	vst v7  }
0xea: {  	s8 =	simm.s32 $0x10630;
	v6 =	vld [tilespmem:s22+$0x0];
	[tilespmem:s26+$0x10200] =	vst v9  }
0xeb: {  	s28 =	simm.s32 $0x4;
	s29 =	simm.s32 $0x80;
	s3 =	smov.u32 s26;
	v7 =	vld [tilespmem:s22+$0x10];
	[tilespmem:s5+$0xFFFFFDF0] =	vst v10  }
.LBB2_9:
0xec: {  	s30 =	sand.u32 $0x1C0, s29;
	s28 =	sadd.s32 $0x4, s28;
	v9 =	vld [tilespmem:s22+$0x210];
	[tilespmem:s5+$0xFFFFFFF0] =	vst v4  }
0xed: {  	v10 =	vld [tilespmem:s30+$0x14000];
	p0 =	slt.u32 s28, $0x1C;
	[tilespmem:s5+$0xFFFFFE00] =	vst v5  }
0xee: {  	v11 =	vld [tilespmem:s22+$0x20];
	[tilespmem:s5+$0x0] =	vst v8  }
.Ltmp3:
0xef: {  	s5 =	sadd.s32 $0x40, s5;
	[tilespmem:s3+$0x10000] =	vst v6;
	v4 =	vld [tilespmem:s22+$0x220];
	s3 =	smov.u32 s30;
	(pc) =	sbr.rel @p0 .LBB2_9-.Ltmp3, $4  }
0xf0: {  	[tilespmem:s5+$0xFFFFFDE0] =	vst v7;
	v5 =	vld [tilespmem:s22+$0x30]  }
0xf1: {  	[tilespmem:s5+$0xFFFFFFE0] =	vst v9;
	v8 =	vld [tilespmem:s22+$0x230];
	s22 =	sadd.s32 $0x40, s22  }
0xf2: {  	v6 =	vld [tilespmem:s22+$0x0];
	[tilespmem:s3+$0x10200] =	vst v10  }
0xf3: {  	s29 =	sadd.s32 $0x40, s29;
	v7 =	vld [tilespmem:s22+$0x10];
	[tilespmem:s5+$0xFFFFFDF0] =	vst v11  }
0xf4: {  	v9 =	vld [tilespmem:s22+$0x210];
	[tilespmem:s5+$0xFFFFFFF0] =	vst v4  }
0xf5: {  	v4 =	vld [tilespmem:s22+$0x20];
	[tilespmem:s5+$0xFFFFFE00] =	vst v5  }
0xf6: {  	v5 =	vld [tilespmem:s22+$0x220];
	[tilespmem:s5+$0x0] =	vst v8  }
0xf7: {  	s30 =	sadd.s32 $0x40, s5;
	[tilespmem:s3+$0x10000] =	vst v6;
	v6 =	vld [tilespmem:s22+$0x30]  }
0xf8: {  	[tilespmem:s30+$0xFFFFFDE0] =	vst v7;
	v7 =	vld [tilespmem:s22+$0x230]  }
0xf9: {  	[tilespmem:s30+$0xFFFFFFE0] =	vst v9  }
0xfa: {  	[tilespmem:s30+$0xFFFFFDF0] =	vst v4  }
0xfb: {  	[tilespmem:s30+$0xFFFFFFF0] =	vst v5  }
0xfc: {  	[tilespmem:s30+$0xFFFFFE00] =	vst v6  }
0xfd: {  	[tilespmem:s30+$0x0] =	vst v7  }
0xfe: {  	v4 =	vld [tilespmem:s9+$0x14000]  }
0xff: {  	v5 =	vld [tilespmem:s20+$0x0]  }
0x100: {  	v6 =	vld [tilespmem:s20+$0x10]  }
0x101: {  	v7 =	vld [tilespmem:s20+$0x210]  }
0x102: {  	v9 =	vld [tilespmem:s20+$0x20]  }
0x103: {  	v8 =	vld [tilespmem:s26+$0x14000];
	[tilespmem:s9+$0x10600] =	vst v4  }
0x104: {  	[tilespmem:s9+$0x10400] =	vst v5;
	v4 =	vld [tilespmem:s20+$0x220]  }
0x105: {  	[tilespmem:s8+$0xFFFFFDE0] =	vst v6;
	v5 =	vld [tilespmem:s20+$0x30]  }
0x106: {  	s9 =	simm.s32 $0x13E40;
	[tilespmem:s8+$0xFFFFFFE0] =	vst v7;
	v7 =	vld [tilespmem:s20+$0x230]  }
0x107: {  	[tilespmem:s8+$0xFFFFFDF0] =	vst v9;
	v6 =	vld [tilespmem:s9+$0x0]  }
0x108: {  	s5 =	simm.s32 $0x10A30;
	s3 =	simm.s32 $0x80;
	s22 =	simm.s32 $0x4;
	[tilespmem:s26+$0x10600] =	vst v8;
	v8 =	vld [tilespmem:s9+$0x10]  }
.LBB2_11:
0x109: {  	s20 =	sand.u32 $0x1C0, s3;
	s22 =	sadd.s32 $0x4, s22;
	v9 =	vld [tilespmem:s9+$0x210];
	[tilespmem:s8+$0xFFFFFFF0] =	vst v4  }
0x10a: {  	v10 =	vld [tilespmem:s20+$0x14000];
	p0 =	slt.u32 s22, $0x1C;
	[tilespmem:s8+$0xFFFFFE00] =	vst v5  }
0x10b: {  	v11 =	vld [tilespmem:s9+$0x20];
	[tilespmem:s8+$0x0] =	vst v7  }
.Ltmp4:
0x10c: {  	s8 =	sadd.s32 $0x40, s8;
	[tilespmem:s26+$0x10400] =	vst v6;
	v4 =	vld [tilespmem:s9+$0x220];
	s26 =	smov.u32 s20;
	(pc) =	sbr.rel @p0 .LBB2_11-.Ltmp4, $4  }
0x10d: {  	[tilespmem:s8+$0xFFFFFDE0] =	vst v8;
	v5 =	vld [tilespmem:s9+$0x30]  }
0x10e: {  	[tilespmem:s8+$0xFFFFFFE0] =	vst v9;
	v7 =	vld [tilespmem:s9+$0x230];
	s9 =	sadd.s32 $0x40, s9  }
0x10f: {  	s28 =	simm.s32 $0x0;
	s20 =	simm.s32 $0x13E00;
	v6 =	vld [tilespmem:s9+$0x0];
	[tilespmem:s26+$0x10600] =	vst v10  }
0x110: {  	s3 =	sadd.s32 $0x40, s3;
	v8 =	vld [tilespmem:s9+$0x10];
	[tilespmem:s8+$0xFFFFFDF0] =	vst v11  }
0x111: {  	v9 =	vld [tilespmem:s9+$0x210];
	[tilespmem:s8+$0xFFFFFFF0] =	vst v4  }
0x112: {  	v4 =	vld [tilespmem:s9+$0x20];
	[tilespmem:s8+$0xFFFFFE00] =	vst v5  }
0x113: {  	v5 =	vld [tilespmem:s9+$0x220];
	[tilespmem:s8+$0x0] =	vst v7  }
0x114: {  	s3 =	sadd.s32 $0x40, s8;
	v7 =	vld [tilespmem:s9+$0x230];
	[tilespmem:s26+$0x10400] =	vst v6  }
0x115: {  	v6 =	vld [tilespmem:s9+$0x30];
	[tilespmem:s3+$0xFFFFFDE0] =	vst v8  }
0x116: {  	[tilespmem:s3+$0xFFFFFFE0] =	vst v9  }
0x117: {  	[tilespmem:s3+$0xFFFFFDF0] =	vst v4  }
0x118: {  	[tilespmem:s3+$0xFFFFFFF0] =	vst v5  }
0x119: {  	[tilespmem:s3+$0x0] =	vst v7  }
0x11a: {  	s9 =	sand.u32 $0x1C0, s28;
	[tilespmem:s3+$0xFFFFFE00] =	vst v6  }
0x11b: {  	v4 =	vld [tilespmem:s9+$0x14000]  }
0x11c: {  	v5 =	vld [tilespmem:s20+$0x0]  }
0x11d: {  	s30 =	simm.s32 $0x40;
	v6 =	vld [tilespmem:s20+$0x10]  }
0x11e: {  	s3 =	sand.u32 $0x1C0, s30;
	v7 =	vld [tilespmem:s20+$0x210]  }
0x11f: {  	v9 =	vld [tilespmem:s3+$0x14000]  }
0x120: {  	v10 =	vld [tilespmem:s20+$0x20];
	[tilespmem:s9+$0x10A00] =	vst v4  }
0x121: {  	[tilespmem:s9+$0x10800] =	vst v5;
	v4 =	vld [tilespmem:s20+$0x220]  }
0x122: {  	[tilespmem:s5+$0xFFFFFDE0] =	vst v6;
	v5 =	vld [tilespmem:s20+$0x30]  }
0x123: {  	s22 =	simm.s32 $0x13E40;
	v8 =	vld [tilespmem:s20+$0x230];
	[tilespmem:s5+$0xFFFFFFE0] =	vst v7  }
0x124: {  	s29 =	simm.s32 $0x80;
	v6 =	vld [tilespmem:s22+$0x0];
	[tilespmem:s3+$0x10A00] =	vst v9  }
0x125: {  	s8 =	simm.s32 $0x10E30;
	s28 =	simm.s32 $0x4;
	s26 =	smov.u32 s3;
	v7 =	vld [tilespmem:s22+$0x10];
	[tilespmem:s5+$0xFFFFFDF0] =	vst v10  }
.LBB2_13:
0x126: {  	s30 =	sand.u32 $0x1C0, s29;
	s28 =	sadd.s32 $0x4, s28;
	v9 =	vld [tilespmem:s22+$0x210];
	[tilespmem:s5+$0xFFFFFFF0] =	vst v4  }
0x127: {  	v10 =	vld [tilespmem:s30+$0x14000];
	p0 =	slt.u32 s28, $0x1C;
	[tilespmem:s5+$0xFFFFFE00] =	vst v5  }
0x128: {  	v11 =	vld [tilespmem:s22+$0x20];
	[tilespmem:s5+$0x0] =	vst v8  }
.Ltmp5:
0x129: {  	s5 =	sadd.s32 $0x40, s5;
	[tilespmem:s26+$0x10800] =	vst v6;
	v4 =	vld [tilespmem:s22+$0x220];
	s26 =	smov.u32 s30;
	(pc) =	sbr.rel @p0 .LBB2_13-.Ltmp5, $4  }
0x12a: {  	[tilespmem:s5+$0xFFFFFDE0] =	vst v7;
	v5 =	vld [tilespmem:s22+$0x30]  }
0x12b: {  	[tilespmem:s5+$0xFFFFFFE0] =	vst v9;
	v8 =	vld [tilespmem:s22+$0x230];
	s22 =	sadd.s32 $0x40, s22  }
0x12c: {  	v6 =	vld [tilespmem:s22+$0x0];
	[tilespmem:s26+$0x10A00] =	vst v10  }
0x12d: {  	s29 =	sadd.s32 $0x40, s29;
	v7 =	vld [tilespmem:s22+$0x10];
	[tilespmem:s5+$0xFFFFFDF0] =	vst v11  }
0x12e: {  	v9 =	vld [tilespmem:s22+$0x210];
	[tilespmem:s5+$0xFFFFFFF0] =	vst v4  }
0x12f: {  	v4 =	vld [tilespmem:s22+$0x20];
	[tilespmem:s5+$0xFFFFFE00] =	vst v5  }
0x130: {  	v5 =	vld [tilespmem:s22+$0x220];
	[tilespmem:s5+$0x0] =	vst v8  }
0x131: {  	s30 =	sadd.s32 $0x40, s5;
	[tilespmem:s26+$0x10800] =	vst v6;
	v6 =	vld [tilespmem:s22+$0x30]  }
0x132: {  	[tilespmem:s30+$0xFFFFFDE0] =	vst v7;
	v7 =	vld [tilespmem:s22+$0x230]  }
0x133: {  	[tilespmem:s30+$0xFFFFFFE0] =	vst v9  }
0x134: {  	[tilespmem:s30+$0xFFFFFDF0] =	vst v4  }
0x135: {  	[tilespmem:s30+$0xFFFFFFF0] =	vst v5  }
0x136: {  	[tilespmem:s30+$0xFFFFFE00] =	vst v6  }
0x137: {  	[tilespmem:s30+$0x0] =	vst v7  }
0x138: {  	v4 =	vld [tilespmem:s9+$0x14000]  }
0x139: {  	v5 =	vld [tilespmem:s20+$0x0]  }
0x13a: {  	v6 =	vld [tilespmem:s20+$0x10]  }
0x13b: {  	v7 =	vld [tilespmem:s20+$0x210]  }
0x13c: {  	v9 =	vld [tilespmem:s20+$0x20]  }
0x13d: {  	v8 =	vld [tilespmem:s3+$0x14000];
	[tilespmem:s9+$0x10E00] =	vst v4  }
0x13e: {  	[tilespmem:s9+$0x10C00] =	vst v5;
	v4 =	vld [tilespmem:s20+$0x220]  }
0x13f: {  	[tilespmem:s8+$0xFFFFFDE0] =	vst v6;
	v5 =	vld [tilespmem:s20+$0x30]  }
0x140: {  	s9 =	simm.s32 $0x13E40;
	[tilespmem:s8+$0xFFFFFFE0] =	vst v7;
	v7 =	vld [tilespmem:s20+$0x230]  }
0x141: {  	[tilespmem:s8+$0xFFFFFDF0] =	vst v9;
	v6 =	vld [tilespmem:s9+$0x0]  }
0x142: {  	s5 =	simm.s32 $0x11230;
	s26 =	simm.s32 $0x80;
	s22 =	simm.s32 $0x4;
	[tilespmem:s3+$0x10E00] =	vst v8;
	v8 =	vld [tilespmem:s9+$0x10]  }
.LBB2_15:
0x143: {  	s20 =	sand.u32 $0x1C0, s26;
	s22 =	sadd.s32 $0x4, s22;
	v9 =	vld [tilespmem:s9+$0x210];
	[tilespmem:s8+$0xFFFFFFF0] =	vst v4  }
0x144: {  	v10 =	vld [tilespmem:s20+$0x14000];
	p0 =	slt.u32 s22, $0x1C;
	[tilespmem:s8+$0xFFFFFE00] =	vst v5  }
0x145: {  	v11 =	vld [tilespmem:s9+$0x20];
	[tilespmem:s8+$0x0] =	vst v7  }
.Ltmp6:
0x146: {  	s8 =	sadd.s32 $0x40, s8;
	[tilespmem:s3+$0x10C00] =	vst v6;
	v4 =	vld [tilespmem:s9+$0x220];
	s3 =	smov.u32 s20;
	(pc) =	sbr.rel @p0 .LBB2_15-.Ltmp6, $4  }
0x147: {  	[tilespmem:s8+$0xFFFFFDE0] =	vst v8;
	v5 =	vld [tilespmem:s9+$0x30]  }
0x148: {  	[tilespmem:s8+$0xFFFFFFE0] =	vst v9;
	v7 =	vld [tilespmem:s9+$0x230];
	s9 =	sadd.s32 $0x40, s9  }
0x149: {  	s28 =	simm.s32 $0x0;
	s20 =	simm.s32 $0x13E00;
	v6 =	vld [tilespmem:s9+$0x0];
	[tilespmem:s3+$0x10E00] =	vst v10  }
0x14a: {  	s26 =	sadd.s32 $0x40, s26;
	v8 =	vld [tilespmem:s9+$0x10];
	[tilespmem:s8+$0xFFFFFDF0] =	vst v11  }
0x14b: {  	v9 =	vld [tilespmem:s9+$0x210];
	[tilespmem:s8+$0xFFFFFFF0] =	vst v4  }
0x14c: {  	v4 =	vld [tilespmem:s9+$0x20];
	[tilespmem:s8+$0xFFFFFE00] =	vst v5  }
0x14d: {  	v5 =	vld [tilespmem:s9+$0x220];
	[tilespmem:s8+$0x0] =	vst v7  }
0x14e: {  	s26 =	sadd.s32 $0x40, s8;
	v7 =	vld [tilespmem:s9+$0x230];
	[tilespmem:s3+$0x10C00] =	vst v6  }
0x14f: {  	v6 =	vld [tilespmem:s9+$0x30];
	[tilespmem:s26+$0xFFFFFDE0] =	vst v8  }
0x150: {  	[tilespmem:s26+$0xFFFFFFE0] =	vst v9  }
0x151: {  	[tilespmem:s26+$0xFFFFFDF0] =	vst v4  }
0x152: {  	[tilespmem:s26+$0xFFFFFFF0] =	vst v5  }
0x153: {  	[tilespmem:s26+$0x0] =	vst v7  }
0x154: {  	s9 =	sand.u32 $0x1C0, s28;
	[tilespmem:s26+$0xFFFFFE00] =	vst v6  }
0x155: {  	v4 =	vld [tilespmem:s9+$0x14000]  }
0x156: {  	v5 =	vld [tilespmem:s20+$0x0]  }
0x157: {  	s30 =	simm.s32 $0x40;
	v6 =	vld [tilespmem:s20+$0x10]  }
0x158: {  	s3 =	sand.u32 $0x1C0, s30;
	v7 =	vld [tilespmem:s20+$0x210]  }
0x159: {  	v9 =	vld [tilespmem:s3+$0x14000]  }
0x15a: {  	v10 =	vld [tilespmem:s20+$0x20];
	[tilespmem:s9+$0x11200] =	vst v4  }
0x15b: {  	[tilespmem:s9+$0x11000] =	vst v5;
	v4 =	vld [tilespmem:s20+$0x220]  }
0x15c: {  	[tilespmem:s5+$0xFFFFFDE0] =	vst v6;
	v5 =	vld [tilespmem:s20+$0x30]  }
0x15d: {  	s22 =	simm.s32 $0x13E40;
	v8 =	vld [tilespmem:s20+$0x230];
	[tilespmem:s5+$0xFFFFFFE0] =	vst v7  }
0x15e: {  	s29 =	simm.s32 $0x80;
	v6 =	vld [tilespmem:s22+$0x0];
	[tilespmem:s3+$0x11200] =	vst v9  }
0x15f: {  	s8 =	simm.s32 $0x11630;
	s28 =	simm.s32 $0x4;
	s26 =	smov.u32 s3;
	v7 =	vld [tilespmem:s22+$0x10];
	[tilespmem:s5+$0xFFFFFDF0] =	vst v10  }
.LBB2_17:
0x160: {  	s30 =	sand.u32 $0x1C0, s29;
	s28 =	sadd.s32 $0x4, s28;
	v9 =	vld [tilespmem:s22+$0x210];
	[tilespmem:s5+$0xFFFFFFF0] =	vst v4  }
0x161: {  	v10 =	vld [tilespmem:s30+$0x14000];
	p0 =	slt.u32 s28, $0x1C;
	[tilespmem:s5+$0xFFFFFE00] =	vst v5  }
0x162: {  	v11 =	vld [tilespmem:s22+$0x20];
	[tilespmem:s5+$0x0] =	vst v8  }
.Ltmp7:
0x163: {  	s5 =	sadd.s32 $0x40, s5;
	[tilespmem:s26+$0x11000] =	vst v6;
	v4 =	vld [tilespmem:s22+$0x220];
	s26 =	smov.u32 s30;
	(pc) =	sbr.rel @p0 .LBB2_17-.Ltmp7, $4  }
0x164: {  	[tilespmem:s5+$0xFFFFFDE0] =	vst v7;
	v5 =	vld [tilespmem:s22+$0x30]  }
0x165: {  	[tilespmem:s5+$0xFFFFFFE0] =	vst v9;
	v8 =	vld [tilespmem:s22+$0x230];
	s22 =	sadd.s32 $0x40, s22  }
0x166: {  	v6 =	vld [tilespmem:s22+$0x0];
	[tilespmem:s26+$0x11200] =	vst v10  }
0x167: {  	s29 =	sadd.s32 $0x40, s29;
	v7 =	vld [tilespmem:s22+$0x10];
	[tilespmem:s5+$0xFFFFFDF0] =	vst v11  }
0x168: {  	v9 =	vld [tilespmem:s22+$0x210];
	[tilespmem:s5+$0xFFFFFFF0] =	vst v4  }
0x169: {  	v4 =	vld [tilespmem:s22+$0x20];
	[tilespmem:s5+$0xFFFFFE00] =	vst v5  }
0x16a: {  	v5 =	vld [tilespmem:s22+$0x220];
	[tilespmem:s5+$0x0] =	vst v8  }
0x16b: {  	s30 =	sadd.s32 $0x40, s5;
	[tilespmem:s26+$0x11000] =	vst v6;
	v6 =	vld [tilespmem:s22+$0x30]  }
0x16c: {  	[tilespmem:s30+$0xFFFFFDE0] =	vst v7;
	v7 =	vld [tilespmem:s22+$0x230]  }
0x16d: {  	[tilespmem:s30+$0xFFFFFFE0] =	vst v9  }
0x16e: {  	[tilespmem:s30+$0xFFFFFDF0] =	vst v4  }
0x16f: {  	[tilespmem:s30+$0xFFFFFFF0] =	vst v5  }
0x170: {  	[tilespmem:s30+$0xFFFFFE00] =	vst v6  }
0x171: {  	[tilespmem:s30+$0x0] =	vst v7  }
0x172: {  	v4 =	vld [tilespmem:s9+$0x14000]  }
0x173: {  	v5 =	vld [tilespmem:s20+$0x0]  }
0x174: {  	v6 =	vld [tilespmem:s20+$0x10]  }
0x175: {  	v7 =	vld [tilespmem:s20+$0x210]  }
0x176: {  	v9 =	vld [tilespmem:s20+$0x20]  }
0x177: {  	v8 =	vld [tilespmem:s3+$0x14000];
	[tilespmem:s9+$0x11600] =	vst v4  }
0x178: {  	[tilespmem:s9+$0x11400] =	vst v5;
	v4 =	vld [tilespmem:s20+$0x220]  }
0x179: {  	[tilespmem:s8+$0xFFFFFDE0] =	vst v6;
	v5 =	vld [tilespmem:s20+$0x30]  }
0x17a: {  	s9 =	simm.s32 $0x13E40;
	[tilespmem:s8+$0xFFFFFFE0] =	vst v7;
	v7 =	vld [tilespmem:s20+$0x230]  }
0x17b: {  	[tilespmem:s8+$0xFFFFFDF0] =	vst v9;
	v6 =	vld [tilespmem:s9+$0x0]  }
0x17c: {  	s5 =	simm.s32 $0x11A30;
	s26 =	simm.s32 $0x80;
	s22 =	simm.s32 $0x4;
	[tilespmem:s3+$0x11600] =	vst v8;
	v8 =	vld [tilespmem:s9+$0x10]  }
.LBB2_19:
0x17d: {  	s20 =	sand.u32 $0x1C0, s26;
	s22 =	sadd.s32 $0x4, s22;
	v9 =	vld [tilespmem:s9+$0x210];
	[tilespmem:s8+$0xFFFFFFF0] =	vst v4  }
0x17e: {  	v10 =	vld [tilespmem:s20+$0x14000];
	p0 =	slt.u32 s22, $0x1C;
	[tilespmem:s8+$0xFFFFFE00] =	vst v5  }
0x17f: {  	v11 =	vld [tilespmem:s9+$0x20];
	[tilespmem:s8+$0x0] =	vst v7  }
.Ltmp8:
0x180: {  	s8 =	sadd.s32 $0x40, s8;
	[tilespmem:s3+$0x11400] =	vst v6;
	v4 =	vld [tilespmem:s9+$0x220];
	s3 =	smov.u32 s20;
	(pc) =	sbr.rel @p0 .LBB2_19-.Ltmp8, $4  }
0x181: {  	[tilespmem:s8+$0xFFFFFDE0] =	vst v8;
	v5 =	vld [tilespmem:s9+$0x30]  }
0x182: {  	[tilespmem:s8+$0xFFFFFFE0] =	vst v9;
	v7 =	vld [tilespmem:s9+$0x230];
	s9 =	sadd.s32 $0x40, s9  }
0x183: {  	s28 =	simm.s32 $0x0;
	s20 =	simm.s32 $0x13E00;
	v6 =	vld [tilespmem:s9+$0x0];
	[tilespmem:s3+$0x11600] =	vst v10  }
0x184: {  	s26 =	sadd.s32 $0x40, s26;
	v8 =	vld [tilespmem:s9+$0x10];
	[tilespmem:s8+$0xFFFFFDF0] =	vst v11  }
0x185: {  	v9 =	vld [tilespmem:s9+$0x210];
	[tilespmem:s8+$0xFFFFFFF0] =	vst v4  }
0x186: {  	v4 =	vld [tilespmem:s9+$0x20];
	[tilespmem:s8+$0xFFFFFE00] =	vst v5  }
0x187: {  	v5 =	vld [tilespmem:s9+$0x220];
	[tilespmem:s8+$0x0] =	vst v7  }
0x188: {  	s26 =	sadd.s32 $0x40, s8;
	v7 =	vld [tilespmem:s9+$0x230];
	[tilespmem:s3+$0x11400] =	vst v6  }
0x189: {  	v6 =	vld [tilespmem:s9+$0x30];
	[tilespmem:s26+$0xFFFFFDE0] =	vst v8  }
0x18a: {  	[tilespmem:s26+$0xFFFFFFE0] =	vst v9  }
0x18b: {  	[tilespmem:s26+$0xFFFFFDF0] =	vst v4  }
0x18c: {  	[tilespmem:s26+$0xFFFFFFF0] =	vst v5  }
0x18d: {  	[tilespmem:s26+$0x0] =	vst v7  }
0x18e: {  	s29 =	sand.u32 $0x1C0, s28;
	[tilespmem:s26+$0xFFFFFE00] =	vst v6  }
0x18f: {  	v4 =	vld [tilespmem:s29+$0x14000]  }
0x190: {  	v5 =	vld [tilespmem:s20+$0x0]  }
0x191: {  	s30 =	simm.s32 $0x40;
	v6 =	vld [tilespmem:s20+$0x10]  }
0x192: {  	s3 =	sand.u32 $0x1C0, s30;
	v7 =	vld [tilespmem:s20+$0x210]  }
0x193: {  	v9 =	vld [tilespmem:s3+$0x14000]  }
0x194: {  	v10 =	vld [tilespmem:s20+$0x20];
	[tilespmem:s29+$0x11A00] =	vst v4  }
0x195: {  	[tilespmem:s29+$0x11800] =	vst v5;
	v4 =	vld [tilespmem:s20+$0x220]  }
0x196: {  	[tilespmem:s5+$0xFFFFFDE0] =	vst v6;
	v6 =	vld [tilespmem:s20+$0x30]  }
0x197: {  	s8 =	simm.s32 $0x13E40;
	v8 =	vld [tilespmem:s20+$0x230];
	[tilespmem:s5+$0xFFFFFFE0] =	vst v7  }
0x198: {  	v7 =	vld [tilespmem:s8+$0x0];
	[tilespmem:s3+$0x11A00] =	vst v9  }
0x199: {  	s9 =	simm.s32 $0x4;
	v5 =	vld [tilespmem:s8+$0x10];
	s20 =	simm.s32 $0x80;
	[tilespmem:s5+$0xFFFFFDF0] =	vst v10  }
.LBB2_21:
0x19a: {  	s22 =	sand.u32 $0x1C0, s20;
	s9 =	sadd.s32 $0x4, s9;
	v9 =	vld [tilespmem:s8+$0x210];
	[tilespmem:s5+$0xFFFFFFF0] =	vst v4  }
0x19b: {  	v10 =	vld [tilespmem:s22+$0x14000];
	p0 =	slt.u32 s9, $0x1C;
	[tilespmem:s5+$0xFFFFFE00] =	vst v6  }
0x19c: {  	v11 =	vld [tilespmem:s8+$0x20];
	[tilespmem:s5+$0x0] =	vst v8  }
.Ltmp9:
0x19d: {  	s5 =	sadd.s32 $0x40, s5;
	[tilespmem:s3+$0x11800] =	vst v7;
	v4 =	vld [tilespmem:s8+$0x220];
	s3 =	smov.u32 s22;
	(pc) =	sbr.rel @p0 .LBB2_21-.Ltmp9, $4  }
0x19e: {  	[tilespmem:s5+$0xFFFFFDE0] =	vst v5;
	v6 =	vld [tilespmem:s8+$0x30]  }
0x19f: {  	[tilespmem:s5+$0xFFFFFFE0] =	vst v9;
	v8 =	vld [tilespmem:s8+$0x230];
	s8 =	sadd.s32 $0x40, s8  }
0x1a0: {  	v7 =	vld [tilespmem:s8+$0x0];
	[tilespmem:s3+$0x11A00] =	vst v10  }
0x1a1: {  	s20 =	sadd.s32 $0x40, s20;
	v5 =	vld [tilespmem:s8+$0x10];
	[tilespmem:s5+$0xFFFFFDF0] =	vst v11  }
0x1a2: {  	v9 =	vld [tilespmem:s8+$0x210];
	[tilespmem:s5+$0xFFFFFFF0] =	vst v4  }
0x1a3: {  	v4 =	vld [tilespmem:s8+$0x20];
	[tilespmem:s5+$0xFFFFFE00] =	vst v6  }
0x1a4: {  	v6 =	vld [tilespmem:s8+$0x220];
	[tilespmem:s5+$0x0] =	vst v8  }
0x1a5: {  	s28 =	sadd.s32 $0x40, s5;
	[tilespmem:s3+$0x11800] =	vst v7;
	v7 =	vld [tilespmem:s8+$0x30]  }
0x1a6: {  	[tilespmem:s28+$0xFFFFFDE0] =	vst v5;
	v5 =	vld [tilespmem:s8+$0x230]  }
0x1a7: {  	[tilespmem:s28+$0xFFFFFFE0] =	vst v9  }
0x1a8: {  	[tilespmem:s28+$0xFFFFFDF0] =	vst v4  }
0x1a9: {  	[tilespmem:s28+$0xFFFFFFF0] =	vst v6  }
0x1aa: {  	s29 =	sshll.u32 s23, $0xB;
	[tilespmem:s28+$0xFFFFFE00] =	vst v7  }
0x1ab: {  	p0 =	seq.s32 s23, $0x1F;
	s30 =	sadd.s32 s29, s7;
	[tilespmem:s28+$0x0] =	vst v5  }
0x1ac: {  	[hbm4b:s30+s4] =	stream.linear.scatter [tilespmem:s17], [sflag:$0x3], $0x2000, $0x38;
	[tilespmem:$0x14200] =	vst v63  }
0x1ad: {  	s3 =	smul.u32 @!p0 $0x1C0, s23;
	_ =	swait.ge [sflag:s18], $0x7000  }
0x1ae: {  	[sflag:s18] =	ssyncset.done $0x0  }
0x1af: {  	s3 =	sshra.s32 @!p0 s3, $0x2;
	[sflag:s18] =	ssyncadd.s32 $0xFFFF9000  }
0x1b0: {  	v4 =	vld @!p0 [tilespmem:s3+$0xE70];
	_ =	sdelay $0x4  }
0x1b1: {  	v5 =	vshll.u32 @!p0 v4, $0x2  }
0x1b2: {  	v6 =	vlaneseq.u32 @!p0;
	v4 =	vand.u32 @!p0 $0x7, v4;
	v5 =	vand.u32 @!p0 $0xFFFFFFE0, v5  }
0x1b3: {  	v7 =	vshrl.u32 @!p0 v6, $0x3;
	v4 =	vor.u32 @!p0 v4, v5;
	v5 =	vand.u32 @!p0 $0x7, v6  }
0x1b4: {  	v7 =	vmul.u32 @!p0 $0x8, v7;
	v8 =	vperm.xlane @!p0 v4, v5;
	_ =	sdelay $0x1  }
0x1b5: {  	v8 =	vadd.s32 @!p0 v7, v8  }
0x1b6: {  	v6 =	vor.u32 @!p0 $0x8, v6  }
0x1b7: {  	v4 =	vperm.xlane @!p0 v4, v6;
	_ =	sdelay $0x1  }
0x1b8: {  	vm1 =	vmmov @!p0 $0xffff;
	s5 =	simm.s32 @!p0 $0x0;
	s8 =	simm.s32 @!p0 $0x1C00;
	v4 =	vadd.s32 @!p0 v7, v4  }
0x1b9: {  	[tilespmem:s8], [sflag:$0x1] =	stream.indirect_vreg.gather @!p0 [hbm4b:s2+s5], $0x80, v8, vm1, $0xb8;
	[tilespmem:$0x14200] =	vst v63  }
0x1ba: {  	s8 =	simm.s32 @!p0 $0x2400  }
0x1bb: {  	[tilespmem:s8], [sflag:$0x1] =	stream.indirect_vreg.gather @!p0 [hbm4b:s6+s5], $0x80, v8, vm1, $0xb8;
	[tilespmem:$0x14200] =	vst v63  }
0x1bc: {  	s8 =	simm.s32 @!p0 $0x2C00  }
0x1bd: {  	[tilespmem:s8], [sflag:$0x1] =	stream.indirect_vreg.gather @!p0 [hbm4b:s2+s5], $0x80, v4, vm1, $0xb8;
	[tilespmem:$0x14200] =	vst v63  }
0x1be: {  	s8 =	simm.s32 @!p0 $0x3400  }
0x1bf: {  	[tilespmem:s8], [sflag:$0x1] =	stream.indirect_vreg.gather @!p0 [hbm4b:s6+s5], $0x80, v4, vm1, $0xb8;
	[tilespmem:$0x14200] =	vst v63  }
0x1c0: {  	v4 =	vld @!p0 [tilespmem:s3+$0xE80];
	_ =	sdelay $0x4  }
0x1c1: {  	v8 =	vshll.u32 @!p0 v4, $0x2  }
0x1c2: {  	v4 =	vand.u32 @!p0 $0x7, v4;
	v8 =	vand.u32 @!p0 $0xFFFFFFE0, v8  }
0x1c3: {  	v4 =	vor.u32 @!p0 v4, v8  }
0x1c4: {  	v8 =	vperm.xlane @!p0 v4, v5;
	_ =	sdelay $0x1  }
0x1c5: {  	v8 =	vadd.s32 @!p0 v7, v8;
	_ =	sdelay $0x1  }
0x1c6: {  	v4 =	vperm.xlane @!p0 v4, v6;
	_ =	sdelay $0x1  }
0x1c7: {  	s8 =	simm.s32 @!p0 $0x3C00;
	v4 =	vadd.s32 @!p0 v7, v4  }
0x1c8: {  	[tilespmem:s8], [sflag:$0x1] =	stream.indirect_vreg.gather @!p0 [hbm4b:s2+s5], $0x80, v8, vm1, $0xb8;
	[tilespmem:$0x14200] =	vst v63  }
0x1c9: {  	s8 =	simm.s32 @!p0 $0x4400  }
0x1ca: {  	[tilespmem:s8], [sflag:$0x1] =	stream.indirect_vreg.gather @!p0 [hbm4b:s6+s5], $0x80, v8, vm1, $0xb8;
	[tilespmem:$0x14200] =	vst v63  }
0x1cb: {  	s8 =	simm.s32 @!p0 $0x4C00  }
0x1cc: {  	[tilespmem:s8], [sflag:$0x1] =	stream.indirect_vreg.gather @!p0 [hbm4b:s2+s5], $0x80, v4, vm1, $0xb8;
	[tilespmem:$0x14200] =	vst v63  }
0x1cd: {  	s8 =	simm.s32 @!p0 $0x5400  }
0x1ce: {  	[tilespmem:s8], [sflag:$0x1] =	stream.indirect_vreg.gather @!p0 [hbm4b:s6+s5], $0x80, v4, vm1, $0xb8;
	[tilespmem:$0x14200] =	vst v63  }
0x1cf: {  	v4 =	vld @!p0 [tilespmem:s3+$0xE90];
	_ =	sdelay $0x4  }
0x1d0: {  	v8 =	vshll.u32 @!p0 v4, $0x2  }
0x1d1: {  	v4 =	vand.u32 @!p0 $0x7, v4;
	v8 =	vand.u32 @!p0 $0xFFFFFFE0, v8  }
0x1d2: {  	v4 =	vor.u32 @!p0 v4, v8  }
0x1d3: {  	v8 =	vperm.xlane @!p0 v4, v5;
	_ =	sdelay $0x1  }
0x1d4: {  	v8 =	vadd.s32 @!p0 v7, v8;
	_ =	sdelay $0x1  }
0x1d5: {  	v4 =	vperm.xlane @!p0 v4, v6;
	_ =	sdelay $0x1  }
0x1d6: {  	s8 =	simm.s32 @!p0 $0x5C00;
	v4 =	vadd.s32 @!p0 v7, v4  }
0x1d7: {  	[tilespmem:s8], [sflag:$0x1] =	stream.indirect_vreg.gather @!p0 [hbm4b:s2+s5], $0x80, v8, vm1, $0xb8;
	[tilespmem:$0x14200] =	vst v63  }
0x1d8: {  	s8 =	simm.s32 @!p0 $0x6400  }
0x1d9: {  	[tilespmem:s8], [sflag:$0x1] =	stream.indirect_vreg.gather @!p0 [hbm4b:s6+s5], $0x80, v8, vm1, $0xb8;
	[tilespmem:$0x14200] =	vst v63  }
0x1da: {  	s8 =	simm.s32 @!p0 $0x6C00  }
0x1db: {  	[tilespmem:s8], [sflag:$0x1] =	stream.indirect_vreg.gather @!p0 [hbm4b:s2+s5], $0x80, v4, vm1, $0xb8;
	[tilespmem:$0x14200] =	vst v63  }
0x1dc: {  	s8 =	simm.s32 @!p0 $0x7400  }
0x1dd: {  	[tilespmem:s8], [sflag:$0x1] =	stream.indirect_vreg.gather @!p0 [hbm4b:s6+s5], $0x80, v4, vm1, $0xb8;
	[tilespmem:$0x14200] =	vst v63  }
0x1de: {  	v4 =	vld.msk @!p0 [tilespmem:s3+$0xEA0], $0xff;
	_ =	sdelay $0x4  }
0x1df: {  	v6 =	vshll.u32 @!p0 v4, $0x2  }
0x1e0: {  	v4 =	vand.u32 @!p0 $0x7, v4;
	v6 =	vand.u32 @!p0 $0xFFFFFFE0, v6  }
0x1e1: {  	v4 =	vor.u32 @!p0 v4, v6  }
0x1e2: {  	v4 =	vperm.xlane @!p0 v4, v5;
	_ =	sdelay $0x1  }
0x1e3: {  	v4 =	vadd.s32 @!p0 v7, v4;
	_ =	sdelay $0x3  }
0x1e4: {  	s3 =	simm.s32 @!p0 $0x7C00  }
0x1e5: {  	[tilespmem:s3], [sflag:$0x1] =	stream.indirect_vreg.gather @!p0 [hbm4b:s2+s5], $0x80, v4, vm1, $0xb8;
	[tilespmem:$0x14200] =	vst v63  }
0x1e6: {  	p1 =	seq.s32 @!p0 s23, $0x0;
	s3 =	simm.s32 @!p0 $0x8400  }
0x1e7: {  	[tilespmem:s3], [sflag:$0x1] =	stream.indirect_vreg.gather @!p0 [hbm4b:s6+s5], $0x80, v4, vm1, $0xb8;
	[tilespmem:$0x14200] =	vst v63  }
0x1e8: {  	p0 =	por p0, !p1  }
0x1e9: {  	_ =	swait.ge @p0 [sflag:s21], $0x2000  }
0x1ea: {  	[sflag:s21] =	ssyncset.done @p0 $0x0  }
0x1eb: {  	s9 =	simm.s32 $0x14000;
	[sflag:s21] =	ssyncadd.s32 @p0 $0xFFFFE000  }
0x1ec: {  	v8 =	vld [tilespmem:s9+$0x30]  }
0x1ed: {  	v10 =	vld [tilespmem:s9+$0x0]  }
0x1ee: {  	v4 =	vld [tilespmem:s9+$0xFFFFFE10]  }
0x1ef: {  	v5 =	vld [tilespmem:s9+$0x10]  }
0x1f0: {  	v6 =	vld [tilespmem:s9+$0xFFFFFE20]  }
0x1f1: {  	s3 =	simm.s32 $0x11E00;
	v7 =	vld [tilespmem:s9+$0xFFFFFE30]  }
0x1f2: {  	s22 =	simm.s32 $0x14040;
	v9 =	vld [tilespmem:s9+$0x20];
	[tilespmem:s3+$0x30] =	vst v8  }
0x1f3: {  	s8 =	simm.s32 $0x0;
	s5 =	simm.s32 $0x12230;
	v8 =	vld [tilespmem:s9+$0xFFFFFE00];
	[tilespmem:s3+$0x0] =	vst v10;
	s9 =	simm.s32 $0x11E00  }
.LBB2_23:
0x1f4: {  	v10 =	vld [tilespmem:s22+$0x30];
	s8 =	sadd.s32 $0x4, s8;
	[tilespmem:s3+$0xFFFFFE10] =	vst v4  }
0x1f5: {  	v11 =	vld [tilespmem:s22+$0x0];
	p0 =	slt.u32 s8, $0x1C;
	[tilespmem:s3+$0x10] =	vst v5  }
0x1f6: {  	v4 =	vld [tilespmem:s22+$0xFFFFFE10];
	[tilespmem:s3+$0xFFFFFE20] =	vst v6;
	v12 =	vmov v7  }
.Ltmp10:
0x1f7: {  	v5 =	vld [tilespmem:s22+$0x10];
	[tilespmem:s3+$0x20] =	vst v9;
	(pc) =	sbr.rel @p0 .LBB2_23-.Ltmp10, $4  }
0x1f8: {  	s3 =	sadd.s32 $0x40, s3;
	v6 =	vld [tilespmem:s22+$0xFFFFFE20];
	[tilespmem:s9+$0xFFFFFE00] =	vst v8  }
0x1f9: {  	s20 =	simm.s32 $0x13E00;
	s26 =	simm.s32 $0x0;
	v7 =	vld [tilespmem:s22+$0xFFFFFE30];
	[tilespmem:s3+$0x30] =	vst v10  }
0x1fa: {  	v9 =	vld [tilespmem:s22+$0x20];
	[tilespmem:s9+$0xFFFFFE30] =	vst v12;
	s9 =	smov.u32 s3  }
0x1fb: {  	v8 =	vld [tilespmem:s22+$0xFFFFFE00];
	[tilespmem:s3+$0x0] =	vst v11;
	s22 =	sadd.s32 $0x40, s22  }
0x1fc: {  	[tilespmem:s3+$0xFFFFFE10] =	vst v4  }
0x1fd: {  	[tilespmem:s3+$0x10] =	vst v5  }
0x1fe: {  	[tilespmem:s3+$0xFFFFFE20] =	vst v6  }
0x1ff: {  	[tilespmem:s9+$0xFFFFFE30] =	vst v7  }
0x200: {  	[tilespmem:s3+$0x20] =	vst v9  }
0x201: {  	[tilespmem:s9+$0xFFFFFE00] =	vst v8;
	s9 =	sand.u32 $0x1C0, s26  }
0x202: {  	v4 =	vld [tilespmem:s9+$0x14000]  }
0x203: {  	v5 =	vld [tilespmem:s20+$0x0]  }
0x204: {  	s30 =	simm.s32 $0x40;
	v6 =	vld [tilespmem:s20+$0x10]  }
0x205: {  	s3 =	sand.u32 $0x1C0, s30;
	v7 =	vld [tilespmem:s20+$0x210]  }
0x206: {  	v9 =	vld [tilespmem:s3+$0x14000]  }
0x207: {  	v10 =	vld [tilespmem:s20+$0x20];
	[tilespmem:s9+$0x12200] =	vst v4  }
0x208: {  	[tilespmem:s9+$0x12000] =	vst v5;
	v4 =	vld [tilespmem:s20+$0x220]  }
0x209: {  	[tilespmem:s5+$0xFFFFFDE0] =	vst v6;
	v5 =	vld [tilespmem:s20+$0x30]  }
0x20a: {  	s22 =	simm.s32 $0x13E40;
	v8 =	vld [tilespmem:s20+$0x230];
	[tilespmem:s5+$0xFFFFFFE0] =	vst v7  }
0x20b: {  	s8 =	simm.s32 $0x12630;
	v6 =	vld [tilespmem:s22+$0x0];
	[tilespmem:s3+$0x12200] =	vst v9  }
0x20c: {  	s28 =	simm.s32 $0x4;
	s29 =	simm.s32 $0x80;
	s26 =	smov.u32 s3;
	v7 =	vld [tilespmem:s22+$0x10];
	[tilespmem:s5+$0xFFFFFDF0] =	vst v10  }
.LBB2_25:
0x20d: {  	s30 =	sand.u32 $0x1C0, s29;
	s28 =	sadd.s32 $0x4, s28;
	v9 =	vld [tilespmem:s22+$0x210];
	[tilespmem:s5+$0xFFFFFFF0] =	vst v4  }
0x20e: {  	v10 =	vld [tilespmem:s30+$0x14000];
	p0 =	slt.u32 s28, $0x1C;
	[tilespmem:s5+$0xFFFFFE00] =	vst v5  }
0x20f: {  	v11 =	vld [tilespmem:s22+$0x20];
	[tilespmem:s5+$0x0] =	vst v8  }
.Ltmp11:
0x210: {  	s5 =	sadd.s32 $0x40, s5;
	[tilespmem:s26+$0x12000] =	vst v6;
	v4 =	vld [tilespmem:s22+$0x220];
	s26 =	smov.u32 s30;
	(pc) =	sbr.rel @p0 .LBB2_25-.Ltmp11, $4  }
0x211: {  	[tilespmem:s5+$0xFFFFFDE0] =	vst v7;
	v5 =	vld [tilespmem:s22+$0x30]  }
0x212: {  	[tilespmem:s5+$0xFFFFFFE0] =	vst v9;
	v8 =	vld [tilespmem:s22+$0x230];
	s22 =	sadd.s32 $0x40, s22  }
0x213: {  	v6 =	vld [tilespmem:s22+$0x0];
	[tilespmem:s26+$0x12200] =	vst v10  }
0x214: {  	s29 =	sadd.s32 $0x40, s29;
	v7 =	vld [tilespmem:s22+$0x10];
	[tilespmem:s5+$0xFFFFFDF0] =	vst v11  }
0x215: {  	v9 =	vld [tilespmem:s22+$0x210];
	[tilespmem:s5+$0xFFFFFFF0] =	vst v4  }
0x216: {  	v4 =	vld [tilespmem:s22+$0x20];
	[tilespmem:s5+$0xFFFFFE00] =	vst v5  }
0x217: {  	v5 =	vld [tilespmem:s22+$0x220];
	[tilespmem:s5+$0x0] =	vst v8  }
0x218: {  	s30 =	sadd.s32 $0x40, s5;
	[tilespmem:s26+$0x12000] =	vst v6;
	v6 =	vld [tilespmem:s22+$0x30]  }
0x219: {  	[tilespmem:s30+$0xFFFFFDE0] =	vst v7;
	v7 =	vld [tilespmem:s22+$0x230]  }
0x21a: {  	[tilespmem:s30+$0xFFFFFFE0] =	vst v9  }
0x21b: {  	[tilespmem:s30+$0xFFFFFDF0] =	vst v4  }
0x21c: {  	[tilespmem:s30+$0xFFFFFFF0] =	vst v5  }
0x21d: {  	[tilespmem:s30+$0xFFFFFE00] =	vst v6  }
0x21e: {  	[tilespmem:s30+$0x0] =	vst v7  }
0x21f: {  	v4 =	vld [tilespmem:s9+$0x14000]  }
0x220: {  	v5 =	vld [tilespmem:s20+$0x0]  }
0x221: {  	v6 =	vld [tilespmem:s20+$0x10]  }
0x222: {  	v7 =	vld [tilespmem:s20+$0x210]  }
0x223: {  	v9 =	vld [tilespmem:s20+$0x20]  }
0x224: {  	v8 =	vld [tilespmem:s3+$0x14000];
	[tilespmem:s9+$0x12600] =	vst v4  }
0x225: {  	[tilespmem:s9+$0x12400] =	vst v5;
	v4 =	vld [tilespmem:s20+$0x220]  }
0x226: {  	[tilespmem:s8+$0xFFFFFDE0] =	vst v6;
	v5 =	vld [tilespmem:s20+$0x30]  }
0x227: {  	s9 =	simm.s32 $0x13E40;
	[tilespmem:s8+$0xFFFFFFE0] =	vst v7;
	v7 =	vld [tilespmem:s20+$0x230]  }
0x228: {  	[tilespmem:s8+$0xFFFFFDF0] =	vst v9;
	v6 =	vld [tilespmem:s9+$0x0]  }
0x229: {  	s5 =	simm.s32 $0x12A30;
	s26 =	simm.s32 $0x80;
	s22 =	simm.s32 $0x4;
	[tilespmem:s3+$0x12600] =	vst v8;
	v8 =	vld [tilespmem:s9+$0x10]  }
.LBB2_27:
0x22a: {  	s20 =	sand.u32 $0x1C0, s26;
	s22 =	sadd.s32 $0x4, s22;
	v9 =	vld [tilespmem:s9+$0x210];
	[tilespmem:s8+$0xFFFFFFF0] =	vst v4  }
0x22b: {  	v10 =	vld [tilespmem:s20+$0x14000];
	p0 =	slt.u32 s22, $0x1C;
	[tilespmem:s8+$0xFFFFFE00] =	vst v5  }
0x22c: {  	v11 =	vld [tilespmem:s9+$0x20];
	[tilespmem:s8+$0x0] =	vst v7  }
.Ltmp12:
0x22d: {  	s8 =	sadd.s32 $0x40, s8;
	[tilespmem:s3+$0x12400] =	vst v6;
	v4 =	vld [tilespmem:s9+$0x220];
	s3 =	smov.u32 s20;
	(pc) =	sbr.rel @p0 .LBB2_27-.Ltmp12, $4  }
0x22e: {  	[tilespmem:s8+$0xFFFFFDE0] =	vst v8;
	v5 =	vld [tilespmem:s9+$0x30]  }
0x22f: {  	[tilespmem:s8+$0xFFFFFFE0] =	vst v9;
	v7 =	vld [tilespmem:s9+$0x230];
	s9 =	sadd.s32 $0x40, s9  }
0x230: {  	s28 =	simm.s32 $0x0;
	s20 =	simm.s32 $0x13E00;
	v6 =	vld [tilespmem:s9+$0x0];
	[tilespmem:s3+$0x12600] =	vst v10  }
0x231: {  	s26 =	sadd.s32 $0x40, s26;
	v8 =	vld [tilespmem:s9+$0x10];
	[tilespmem:s8+$0xFFFFFDF0] =	vst v11  }
0x232: {  	v9 =	vld [tilespmem:s9+$0x210];
	[tilespmem:s8+$0xFFFFFFF0] =	vst v4  }
0x233: {  	v4 =	vld [tilespmem:s9+$0x20];
	[tilespmem:s8+$0xFFFFFE00] =	vst v5  }
0x234: {  	v5 =	vld [tilespmem:s9+$0x220];
	[tilespmem:s8+$0x0] =	vst v7  }
0x235: {  	s26 =	sadd.s32 $0x40, s8;
	v7 =	vld [tilespmem:s9+$0x230];
	[tilespmem:s3+$0x12400] =	vst v6  }
0x236: {  	v6 =	vld [tilespmem:s9+$0x30];
	[tilespmem:s26+$0xFFFFFDE0] =	vst v8  }
0x237: {  	[tilespmem:s26+$0xFFFFFFE0] =	vst v9  }
0x238: {  	[tilespmem:s26+$0xFFFFFDF0] =	vst v4  }
0x239: {  	[tilespmem:s26+$0xFFFFFFF0] =	vst v5  }
0x23a: {  	[tilespmem:s26+$0x0] =	vst v7  }
0x23b: {  	s9 =	sand.u32 $0x1C0, s28;
	[tilespmem:s26+$0xFFFFFE00] =	vst v6  }
0x23c: {  	v4 =	vld [tilespmem:s9+$0x14000]  }
0x23d: {  	v5 =	vld [tilespmem:s20+$0x0]  }
0x23e: {  	s30 =	simm.s32 $0x40;
	v6 =	vld [tilespmem:s20+$0x10]  }
0x23f: {  	s3 =	sand.u32 $0x1C0, s30;
	v7 =	vld [tilespmem:s20+$0x210]  }
0x240: {  	v9 =	vld [tilespmem:s3+$0x14000]  }
0x241: {  	v10 =	vld [tilespmem:s20+$0x20];
	[tilespmem:s9+$0x12A00] =	vst v4  }
0x242: {  	[tilespmem:s9+$0x12800] =	vst v5;
	v4 =	vld [tilespmem:s20+$0x220]  }
0x243: {  	[tilespmem:s5+$0xFFFFFDE0] =	vst v6;
	v5 =	vld [tilespmem:s20+$0x30]  }
0x244: {  	s22 =	simm.s32 $0x13E40;
	v8 =	vld [tilespmem:s20+$0x230];
	[tilespmem:s5+$0xFFFFFFE0] =	vst v7  }
0x245: {  	s29 =	simm.s32 $0x80;
	v6 =	vld [tilespmem:s22+$0x0];
	[tilespmem:s3+$0x12A00] =	vst v9  }
0x246: {  	s8 =	simm.s32 $0x12E30;
	s28 =	simm.s32 $0x4;
	s26 =	smov.u32 s3;
	v7 =	vld [tilespmem:s22+$0x10];
	[tilespmem:s5+$0xFFFFFDF0] =	vst v10  }
.LBB2_29:
0x247: {  	s30 =	sand.u32 $0x1C0, s29;
	s28 =	sadd.s32 $0x4, s28;
	v9 =	vld [tilespmem:s22+$0x210];
	[tilespmem:s5+$0xFFFFFFF0] =	vst v4  }
0x248: {  	v10 =	vld [tilespmem:s30+$0x14000];
	p0 =	slt.u32 s28, $0x1C;
	[tilespmem:s5+$0xFFFFFE00] =	vst v5  }
0x249: {  	v11 =	vld [tilespmem:s22+$0x20];
	[tilespmem:s5+$0x0] =	vst v8  }
.Ltmp13:
0x24a: {  	s5 =	sadd.s32 $0x40, s5;
	[tilespmem:s26+$0x12800] =	vst v6;
	v4 =	vld [tilespmem:s22+$0x220];
	s26 =	smov.u32 s30;
	(pc) =	sbr.rel @p0 .LBB2_29-.Ltmp13, $4  }
0x24b: {  	[tilespmem:s5+$0xFFFFFDE0] =	vst v7;
	v5 =	vld [tilespmem:s22+$0x30]  }
0x24c: {  	[tilespmem:s5+$0xFFFFFFE0] =	vst v9;
	v8 =	vld [tilespmem:s22+$0x230];
	s22 =	sadd.s32 $0x40, s22  }
0x24d: {  	v6 =	vld [tilespmem:s22+$0x0];
	[tilespmem:s26+$0x12A00] =	vst v10  }
0x24e: {  	s29 =	sadd.s32 $0x40, s29;
	v7 =	vld [tilespmem:s22+$0x10];
	[tilespmem:s5+$0xFFFFFDF0] =	vst v11  }
0x24f: {  	v9 =	vld [tilespmem:s22+$0x210];
	[tilespmem:s5+$0xFFFFFFF0] =	vst v4  }
0x250: {  	v4 =	vld [tilespmem:s22+$0x20];
	[tilespmem:s5+$0xFFFFFE00] =	vst v5  }
0x251: {  	v5 =	vld [tilespmem:s22+$0x220];
	[tilespmem:s5+$0x0] =	vst v8  }
0x252: {  	s30 =	sadd.s32 $0x40, s5;
	[tilespmem:s26+$0x12800] =	vst v6;
	v6 =	vld [tilespmem:s22+$0x30]  }
0x253: {  	[tilespmem:s30+$0xFFFFFDE0] =	vst v7;
	v7 =	vld [tilespmem:s22+$0x230]  }
0x254: {  	[tilespmem:s30+$0xFFFFFFE0] =	vst v9  }
0x255: {  	[tilespmem:s30+$0xFFFFFDF0] =	vst v4  }
0x256: {  	[tilespmem:s30+$0xFFFFFFF0] =	vst v5  }
0x257: {  	[tilespmem:s30+$0xFFFFFE00] =	vst v6  }
0x258: {  	[tilespmem:s30+$0x0] =	vst v7  }
0x259: {  	v4 =	vld [tilespmem:s9+$0x14000]  }
0x25a: {  	v5 =	vld [tilespmem:s20+$0x0]  }
0x25b: {  	v6 =	vld [tilespmem:s20+$0x10]  }
0x25c: {  	v7 =	vld [tilespmem:s20+$0x210]  }
0x25d: {  	v9 =	vld [tilespmem:s20+$0x20]  }
0x25e: {  	v8 =	vld [tilespmem:s3+$0x14000];
	[tilespmem:s9+$0x12E00] =	vst v4  }
0x25f: {  	[tilespmem:s9+$0x12C00] =	vst v5;
	v4 =	vld [tilespmem:s20+$0x220]  }
0x260: {  	[tilespmem:s8+$0xFFFFFDE0] =	vst v6;
	v5 =	vld [tilespmem:s20+$0x30]  }
0x261: {  	s9 =	simm.s32 $0x13E40;
	[tilespmem:s8+$0xFFFFFFE0] =	vst v7;
	v7 =	vld [tilespmem:s20+$0x230]  }
0x262: {  	[tilespmem:s8+$0xFFFFFDF0] =	vst v9;
	v6 =	vld [tilespmem:s9+$0x0]  }
0x263: {  	s5 =	simm.s32 $0x13230;
	s26 =	simm.s32 $0x80;
	s22 =	simm.s32 $0x4;
	[tilespmem:s3+$0x12E00] =	vst v8;
	v8 =	vld [tilespmem:s9+$0x10]  }
.LBB2_31:
0x264: {  	s20 =	sand.u32 $0x1C0, s26;
	s22 =	sadd.s32 $0x4, s22;
	v9 =	vld [tilespmem:s9+$0x210];
	[tilespmem:s8+$0xFFFFFFF0] =	vst v4  }
0x265: {  	v10 =	vld [tilespmem:s20+$0x14000];
	p0 =	slt.u32 s22, $0x1C;
	[tilespmem:s8+$0xFFFFFE00] =	vst v5  }
0x266: {  	v11 =	vld [tilespmem:s9+$0x20];
	[tilespmem:s8+$0x0] =	vst v7  }
.Ltmp14:
0x267: {  	s8 =	sadd.s32 $0x40, s8;
	[tilespmem:s3+$0x12C00] =	vst v6;
	v4 =	vld [tilespmem:s9+$0x220];
	s3 =	smov.u32 s20;
	(pc) =	sbr.rel @p0 .LBB2_31-.Ltmp14, $4  }
0x268: {  	[tilespmem:s8+$0xFFFFFDE0] =	vst v8;
	v5 =	vld [tilespmem:s9+$0x30]  }
0x269: {  	[tilespmem:s8+$0xFFFFFFE0] =	vst v9;
	v7 =	vld [tilespmem:s9+$0x230];
	s9 =	sadd.s32 $0x40, s9  }
0x26a: {  	s28 =	simm.s32 $0x0;
	s20 =	simm.s32 $0x13E00;
	v6 =	vld [tilespmem:s9+$0x0];
	[tilespmem:s3+$0x12E00] =	vst v10  }
0x26b: {  	s26 =	sadd.s32 $0x40, s26;
	v8 =	vld [tilespmem:s9+$0x10];
	[tilespmem:s8+$0xFFFFFDF0] =	vst v11  }
0x26c: {  	v9 =	vld [tilespmem:s9+$0x210];
	[tilespmem:s8+$0xFFFFFFF0] =	vst v4  }
0x26d: {  	v4 =	vld [tilespmem:s9+$0x20];
	[tilespmem:s8+$0xFFFFFE00] =	vst v5  }
0x26e: {  	v5 =	vld [tilespmem:s9+$0x220];
	[tilespmem:s8+$0x0] =	vst v7  }
0x26f: {  	s26 =	sadd.s32 $0x40, s8;
	v7 =	vld [tilespmem:s9+$0x230];
	[tilespmem:s3+$0x12C00] =	vst v6  }
0x270: {  	v6 =	vld [tilespmem:s9+$0x30];
	[tilespmem:s26+$0xFFFFFDE0] =	vst v8  }
0x271: {  	[tilespmem:s26+$0xFFFFFFE0] =	vst v9  }
0x272: {  	[tilespmem:s26+$0xFFFFFDF0] =	vst v4  }
0x273: {  	[tilespmem:s26+$0xFFFFFFF0] =	vst v5  }
0x274: {  	[tilespmem:s26+$0x0] =	vst v7  }
0x275: {  	s9 =	sand.u32 $0x1C0, s28;
	[tilespmem:s26+$0xFFFFFE00] =	vst v6  }
0x276: {  	v4 =	vld [tilespmem:s9+$0x14000]  }
0x277: {  	v5 =	vld [tilespmem:s20+$0x0]  }
0x278: {  	s30 =	simm.s32 $0x40;
	v6 =	vld [tilespmem:s20+$0x10]  }
0x279: {  	s3 =	sand.u32 $0x1C0, s30;
	v7 =	vld [tilespmem:s20+$0x210]  }
0x27a: {  	v9 =	vld [tilespmem:s3+$0x14000]  }
0x27b: {  	v10 =	vld [tilespmem:s20+$0x20];
	[tilespmem:s9+$0x13200] =	vst v4  }
0x27c: {  	[tilespmem:s9+$0x13000] =	vst v5;
	v4 =	vld [tilespmem:s20+$0x220]  }
0x27d: {  	[tilespmem:s5+$0xFFFFFDE0] =	vst v6;
	v5 =	vld [tilespmem:s20+$0x30]  }
0x27e: {  	s22 =	simm.s32 $0x13E40;
	v8 =	vld [tilespmem:s20+$0x230];
	[tilespmem:s5+$0xFFFFFFE0] =	vst v7  }
0x27f: {  	s29 =	simm.s32 $0x80;
	v6 =	vld [tilespmem:s22+$0x0];
	[tilespmem:s3+$0x13200] =	vst v9  }
0x280: {  	s8 =	simm.s32 $0x13630;
	s28 =	simm.s32 $0x4;
	s26 =	smov.u32 s3;
	v7 =	vld [tilespmem:s22+$0x10];
	[tilespmem:s5+$0xFFFFFDF0] =	vst v10  }
.LBB2_33:
0x281: {  	s30 =	sand.u32 $0x1C0, s29;
	s28 =	sadd.s32 $0x4, s28;
	v9 =	vld [tilespmem:s22+$0x210];
	[tilespmem:s5+$0xFFFFFFF0] =	vst v4  }
0x282: {  	v10 =	vld [tilespmem:s30+$0x14000];
	p0 =	slt.u32 s28, $0x1C;
	[tilespmem:s5+$0xFFFFFE00] =	vst v5  }
0x283: {  	v11 =	vld [tilespmem:s22+$0x20];
	[tilespmem:s5+$0x0] =	vst v8  }
.Ltmp15:
0x284: {  	s5 =	sadd.s32 $0x40, s5;
	[tilespmem:s26+$0x13000] =	vst v6;
	v4 =	vld [tilespmem:s22+$0x220];
	s26 =	smov.u32 s30;
	(pc) =	sbr.rel @p0 .LBB2_33-.Ltmp15, $4  }
0x285: {  	[tilespmem:s5+$0xFFFFFDE0] =	vst v7;
	v5 =	vld [tilespmem:s22+$0x30]  }
0x286: {  	[tilespmem:s5+$0xFFFFFFE0] =	vst v9;
	v8 =	vld [tilespmem:s22+$0x230];
	s22 =	sadd.s32 $0x40, s22  }
0x287: {  	v6 =	vld [tilespmem:s22+$0x0];
	[tilespmem:s26+$0x13200] =	vst v10  }
0x288: {  	s29 =	sadd.s32 $0x40, s29;
	v7 =	vld [tilespmem:s22+$0x10];
	[tilespmem:s5+$0xFFFFFDF0] =	vst v11  }
0x289: {  	v9 =	vld [tilespmem:s22+$0x210];
	[tilespmem:s5+$0xFFFFFFF0] =	vst v4  }
0x28a: {  	v4 =	vld [tilespmem:s22+$0x20];
	[tilespmem:s5+$0xFFFFFE00] =	vst v5  }
0x28b: {  	v5 =	vld [tilespmem:s22+$0x220];
	[tilespmem:s5+$0x0] =	vst v8  }
0x28c: {  	s30 =	sadd.s32 $0x40, s5;
	[tilespmem:s26+$0x13000] =	vst v6;
	v6 =	vld [tilespmem:s22+$0x30]  }
0x28d: {  	[tilespmem:s30+$0xFFFFFDE0] =	vst v7;
	v7 =	vld [tilespmem:s22+$0x230]  }
0x28e: {  	[tilespmem:s30+$0xFFFFFFE0] =	vst v9  }
0x28f: {  	[tilespmem:s30+$0xFFFFFDF0] =	vst v4  }
0x290: {  	[tilespmem:s30+$0xFFFFFFF0] =	vst v5  }
0x291: {  	[tilespmem:s30+$0xFFFFFE00] =	vst v6  }
0x292: {  	[tilespmem:s30+$0x0] =	vst v7  }
0x293: {  	v4 =	vld [tilespmem:s9+$0x14000]  }
0x294: {  	v5 =	vld [tilespmem:s20+$0x0]  }
0x295: {  	v6 =	vld [tilespmem:s20+$0x10]  }
0x296: {  	v7 =	vld [tilespmem:s20+$0x210]  }
0x297: {  	v9 =	vld [tilespmem:s20+$0x20]  }
0x298: {  	v8 =	vld [tilespmem:s3+$0x14000];
	[tilespmem:s9+$0x13600] =	vst v4  }
0x299: {  	[tilespmem:s9+$0x13400] =	vst v5;
	v4 =	vld [tilespmem:s20+$0x220]  }
0x29a: {  	[tilespmem:s8+$0xFFFFFDE0] =	vst v6;
	v5 =	vld [tilespmem:s20+$0x30]  }
0x29b: {  	s9 =	simm.s32 $0x13E40;
	[tilespmem:s8+$0xFFFFFFE0] =	vst v7;
	v7 =	vld [tilespmem:s20+$0x230]  }
0x29c: {  	[tilespmem:s8+$0xFFFFFDF0] =	vst v9;
	v6 =	vld [tilespmem:s9+$0x0]  }
0x29d: {  	s5 =	simm.s32 $0x13A30;
	s26 =	simm.s32 $0x80;
	s22 =	simm.s32 $0x4;
	[tilespmem:s3+$0x13600] =	vst v8;
	v8 =	vld [tilespmem:s9+$0x10]  }
.LBB2_35:
0x29e: {  	s20 =	sand.u32 $0x1C0, s26;
	s22 =	sadd.s32 $0x4, s22;
	v9 =	vld [tilespmem:s9+$0x210];
	[tilespmem:s8+$0xFFFFFFF0] =	vst v4  }
0x29f: {  	v10 =	vld [tilespmem:s20+$0x14000];
	p0 =	slt.u32 s22, $0x1C;
	[tilespmem:s8+$0xFFFFFE00] =	vst v5  }
0x2a0: {  	v11 =	vld [tilespmem:s9+$0x20];
	[tilespmem:s8+$0x0] =	vst v7  }
.Ltmp16:
0x2a1: {  	s8 =	sadd.s32 $0x40, s8;
	[tilespmem:s3+$0x13400] =	vst v6;
	v4 =	vld [tilespmem:s9+$0x220];
	s3 =	smov.u32 s20;
	(pc) =	sbr.rel @p0 .LBB2_35-.Ltmp16, $4  }
0x2a2: {  	[tilespmem:s8+$0xFFFFFDE0] =	vst v8;
	v5 =	vld [tilespmem:s9+$0x30]  }
0x2a3: {  	[tilespmem:s8+$0xFFFFFFE0] =	vst v9;
	v7 =	vld [tilespmem:s9+$0x230];
	s9 =	sadd.s32 $0x40, s9  }
0x2a4: {  	s28 =	simm.s32 $0x0;
	s20 =	simm.s32 $0x13E00;
	v6 =	vld [tilespmem:s9+$0x0];
	[tilespmem:s3+$0x13600] =	vst v10  }
0x2a5: {  	s26 =	sadd.s32 $0x40, s26;
	v8 =	vld [tilespmem:s9+$0x10];
	[tilespmem:s8+$0xFFFFFDF0] =	vst v11  }
0x2a6: {  	v9 =	vld [tilespmem:s9+$0x210];
	[tilespmem:s8+$0xFFFFFFF0] =	vst v4  }
0x2a7: {  	v4 =	vld [tilespmem:s9+$0x20];
	[tilespmem:s8+$0xFFFFFE00] =	vst v5  }
0x2a8: {  	v5 =	vld [tilespmem:s9+$0x220];
	[tilespmem:s8+$0x0] =	vst v7  }
0x2a9: {  	s26 =	sadd.s32 $0x40, s8;
	v7 =	vld [tilespmem:s9+$0x230];
	[tilespmem:s3+$0x13400] =	vst v6  }
0x2aa: {  	v6 =	vld [tilespmem:s9+$0x30];
	[tilespmem:s26+$0xFFFFFDE0] =	vst v8  }
0x2ab: {  	[tilespmem:s26+$0xFFFFFFE0] =	vst v9  }
0x2ac: {  	[tilespmem:s26+$0xFFFFFDF0] =	vst v4  }
0x2ad: {  	[tilespmem:s26+$0xFFFFFFF0] =	vst v5  }
0x2ae: {  	[tilespmem:s26+$0x0] =	vst v7  }
0x2af: {  	s29 =	sand.u32 $0x1C0, s28;
	[tilespmem:s26+$0xFFFFFE00] =	vst v6  }
0x2b0: {  	v4 =	vld [tilespmem:s29+$0x14000]  }
0x2b1: {  	v5 =	vld [tilespmem:s20+$0x0]  }
0x2b2: {  	s30 =	simm.s32 $0x40;
	v6 =	vld [tilespmem:s20+$0x10]  }
0x2b3: {  	s3 =	sand.u32 $0x1C0, s30;
	v7 =	vld [tilespmem:s20+$0x210]  }
0x2b4: {  	v9 =	vld [tilespmem:s3+$0x14000]  }
0x2b5: {  	v10 =	vld [tilespmem:s20+$0x20];
	[tilespmem:s29+$0x13A00] =	vst v4  }
0x2b6: {  	[tilespmem:s29+$0x13800] =	vst v5;
	v4 =	vld [tilespmem:s20+$0x220]  }
0x2b7: {  	[tilespmem:s5+$0xFFFFFDE0] =	vst v6;
	v6 =	vld [tilespmem:s20+$0x30]  }
0x2b8: {  	s8 =	simm.s32 $0x13E40;
	v8 =	vld [tilespmem:s20+$0x230];
	[tilespmem:s5+$0xFFFFFFE0] =	vst v7  }
0x2b9: {  	v7 =	vld [tilespmem:s8+$0x0];
	[tilespmem:s3+$0x13A00] =	vst v9  }
0x2ba: {  	s9 =	simm.s32 $0x4;
	v5 =	vld [tilespmem:s8+$0x10];
	s20 =	simm.s32 $0x80;
	[tilespmem:s5+$0xFFFFFDF0] =	vst v10  }
.LBB2_37:
0x2bb: {  	s22 =	sand.u32 $0x1C0, s20;
	s9 =	sadd.s32 $0x4, s9;
	v9 =	vld [tilespmem:s8+$0x210];
	[tilespmem:s5+$0xFFFFFFF0] =	vst v4  }
0x2bc: {  	v10 =	vld [tilespmem:s22+$0x14000];
	p0 =	slt.u32 s9, $0x1C;
	[tilespmem:s5+$0xFFFFFE00] =	vst v6  }
0x2bd: {  	v11 =	vld [tilespmem:s8+$0x20];
	[tilespmem:s5+$0x0] =	vst v8  }
.Ltmp17:
0x2be: {  	s5 =	sadd.s32 $0x40, s5;
	[tilespmem:s3+$0x13800] =	vst v7;
	v4 =	vld [tilespmem:s8+$0x220];
	s3 =	smov.u32 s22;
	(pc) =	sbr.rel @p0 .LBB2_37-.Ltmp17, $4  }
0x2bf: {  	[tilespmem:s5+$0xFFFFFDE0] =	vst v5;
	v6 =	vld [tilespmem:s8+$0x30]  }
0x2c0: {  	[tilespmem:s5+$0xFFFFFFE0] =	vst v9;
	v8 =	vld [tilespmem:s8+$0x230];
	s8 =	sadd.s32 $0x40, s8  }
0x2c1: {  	v7 =	vld [tilespmem:s8+$0x0];
	[tilespmem:s3+$0x13A00] =	vst v10  }
0x2c2: {  	s20 =	sadd.s32 $0x40, s20;
	v5 =	vld [tilespmem:s8+$0x10];
	[tilespmem:s5+$0xFFFFFDF0] =	vst v11  }
0x2c3: {  	v9 =	vld [tilespmem:s8+$0x210];
	[tilespmem:s5+$0xFFFFFFF0] =	vst v4  }
0x2c4: {  	v4 =	vld [tilespmem:s8+$0x20];
	[tilespmem:s5+$0xFFFFFE00] =	vst v6  }
0x2c5: {  	v62 =	vld [tilespmem:s8+$0x220];
	[tilespmem:s5+$0x0] =	vst v8  }
0x2c6: {  	s28 =	sadd.s32 $0x40, s5;
	v63 =	vld [tilespmem:s8+$0x30];
	[tilespmem:s3+$0x13800] =	vst v7  }
0x2c7: {  	s23 =	sadd.s32 $0x1, s23;
	[tilespmem:s28+$0xFFFFFDE0] =	vst v5;
	v5 =	vld [tilespmem:s8+$0x230]  }
0x2c8: {  	p0 =	sne.s32 s23, $0x20;
	[tilespmem:s28+$0xFFFFFFE0] =	vst v9  }
.Ltmp18:
0x2c9: {  	[tilespmem:s28+$0xFFFFFDF0] =	vst v4;
	(pc) =	sbr.rel @p0 .LBB2_6-.Ltmp18, $4  }
0x2ca: {  	[tilespmem:s28+$0xFFFFFFF0] =	vst v62  }
0x2cb: {  	s29 =	sshll.u32 s24, $0xA;
	[tilespmem:s28+$0xFFFFFE00] =	vst v63  }
0x2cc: {  	s30 =	sadd.s32 s29, s7;
	[tilespmem:s28+$0x0] =	vst v5  }
0x2cd: {  	[hbm4b:s30+s4] =	stream.linear.scatter [tilespmem:s19], [sflag:$0x4], $0x2000, $0x38;
	[tilespmem:$0x14200] =	vst v63  }
0x2ce: {  	s3 =	simm.s32 $0x3  }
0x2cf: {  	_ =	swait.ge [sflag:s3], $0x2000  }
0x2d0: {  	[sflag:s3] =	ssyncset.done $0x0  }
0x2d1: {  	[sflag:s3] =	ssyncadd.s32 $0xFFFFE000  }
0x2d2: {  	_ =	swait.ge [sflag:s21], $0x2000  }
0x2d3: {  	s5 =	rddreg [dreg:$0x5]  }
0x2d4: {  	s30 =	rddreg [dreg:$0x4];
	s5 =	sadd.s32 $0x1, s5  }
0x2d5: {  	p0 =	sne.s32 s5, s30  }
.Ltmp19:
0x2d6: {  	_ = 	snop;
	(pc) =	sbr.rel @p0 .LBB2_1-.Ltmp19, $3  }
0x2d7: {  	_ =	sdelay $0x1  }
0x2d8: {  	[sflag:s21] =	ssyncset.done $0x0  }
0x2d9: {  	[sflag:s21] =	ssyncadd.s32 $0xFFFFE000  }
0x2da: {  	_ =	sfence.sel $0x180000  }
0x2db: {  	[bflag:$0x0] =	sbarrier.arrive $0xFFFF  }
0x2dc: {  	_ =	strace $0x90000047  }
0x2dd: {  	s0 =	stileid.u32;
	[bflag:$0x2] =	sbarrier.arrive $0xFFFF  }
0x2de: {  	p0 =	sne.s32 s0, $0x0;
	s0 =	rddreg [dreg:$0x2]  }
0x2df: {  	s0 =	sadd.s32 @!p0 $0x100000, s0  }
0x2e0: {  	[sflag:s0] =	ssyncadd.tile.s32 @!p0 $0x1;
	_ =	shalt  }
.Lfunc_end2:
_tile_overlayer_lowered:
.L_overlay_start_2:
0x2e1: {  	(tag) =	ssettag $0x2  }
0x2e2: {  	s0 =	rddreg [dreg:$0x0];
	s2 =	stileid.u32  }
0x2e3: {  	s1 =	rddreg [dreg:$0x1];
	p0 =	sne.s32 s2, $0x0  }
0x2e4: {  	s3 =	rddreg [dreg:$0x2];
	[bflag:$0x3] =	sbarrier.arrive $0xFFFF;
	s2 =	simm.s32 @!p0 $0x1C05  }
0x2e5: {  	[timem:s3], [sflag:s2] =	dma.local @!p0 [hbm:s0], s1  }
0x2e6: {  	s0 =	simm.s32 @!p0 $0x5  }
0x2e7: {  	_ =	swait.ge @!p0 [sflag:s0], s1  }
0x2e8: {  	s1 =	ssub.s32 @!p0 $0x0, s1;
	[sflag:s0] =	ssyncset.done @!p0 $0x0  }
0x2e9: {  	[sflag:s0] =	ssyncadd.s32 @!p0 s1  }
0x2ea: {  	[bflag:$0x3] =	sbarrier.arrive $0xFFFF  }
0x2eb: {  	_ =	shalt  }

</sc_bundles>
